<compile_context>
chip_gen: v7x
topology: tpu7x:2x2x1
jax: 0.10.2.dev20260603
libtpu: 0.0.44.dev20260713+nightly
codegen_flags: <defaults>
</compile_context>

<pallas_src>
import functools

import jax
import jax.numpy as jnp
from jax import lax
from jax.experimental import pallas as pl
from jax.experimental.pallas import tpu as pltpu
from jax.experimental.pallas import tpu_sc as plsc

OVERSAMP = 4
NV = 64
NPIX_LO = 128
PIXSCALE_LO = 0.1
VEL0 = -500.0
DV = 1000.0 / (NV - 1)
NPIX_HI = NPIX_LO * OVERSAMP
PIXSCALE_HI = PIXSCALE_LO / OVERSAMP
FOV_HALF_HI = 0.5 * (NPIX_HI - 1) * PIXSCALE_HI

NLO = NV * NPIX_LO * NPIX_LO

NC = 2
NS = 16
LANES = 16
NW = NC * NS

M_TOTAL = 262144 * 8
P_PER_W = M_TOTAL // NW
CHUNK = 1024
N_CHUNKS = P_PER_W // CHUNK
N_VECS = CHUNK // LANES
ENTRIES = 8 * CHUNK

_mesh = plsc.VectorSubcoreMesh(
    core_axis_name="c", subcore_axis_name="s", num_cores=NC, num_subcores=NS
)


@functools.partial(
    pl.kernel,
    out_type=jax.ShapeDtypeStruct((NC, NLO), jnp.float32),
    mesh=_mesh,
    scratch_types=[
        pltpu.VMEM((4, CHUNK), jnp.float32),
        pltpu.VMEM((4, CHUNK), jnp.float32),
        pltpu.VMEM((ENTRIES,), jnp.int32),
        pltpu.VMEM((ENTRIES,), jnp.float32),
        pltpu.VMEM((ENTRIES,), jnp.int32),
        pltpu.VMEM((ENTRIES,), jnp.float32),
        pltpu.VMEM_SHARED((NLO,), jnp.float32),
        pltpu.SemaphoreType.DMA,
        pltpu.SemaphoreType.DMA,
        pltpu.SemaphoreType.DMA,
        pltpu.SemaphoreType.DMA,
    ],
)
def _sc_splat(pos_h, vel_h, flx_h, out_h, in_a, in_b,
              idx_a, val_a, idx_b, val_b, cube_sh, sem_a, sem_b,
              sem_ia, sem_ib):
    cid = lax.axis_index("c")
    sid = lax.axis_index("s")
    wid = cid * NS + sid

    inv_p = jnp.float32(1.0 / PIXSCALE_HI)
    off_p = jnp.float32(FOV_HALF_HI / PIXSCALE_HI)
    inv_dv = jnp.float32(1.0 / DV)
    off_v = jnp.float32(-VEL0 / DV)
    sixteenth = jnp.float32(1.0 / 16.0)

    def _zero_body(i, _):
        val_a[pl.ds(i * LANES, LANES)] = jnp.zeros((LANES,), jnp.float32)
        return 0
    lax.fori_loop(0, ENTRIES // LANES, _zero_body, 0)
    words_per_tile = NLO // NS
    zb = 4096
    def _zinit_body(j, _):
        pltpu.sync_copy(
            val_a.at[pl.ds(0, zb)],
            cube_sh.at[pl.ds(sid * words_per_tile + j * zb, zb)],
        )
        return 0
    lax.fori_loop(0, words_per_tile // zb, _zinit_body, 0)
    plsc.subcore_barrier()

    K_PTS = 8
    N_PTS = M_TOTAL // K_PTS
    NPART = N_PTS // NW
    JCH = NPART // CHUNK

    def _in_descs(ch, in_v, sem):
        k = ch // JCH
        j = ch % JCH
        n0 = wid * NPART + j * CHUNK
        return (
            pltpu.make_async_copy(pos_h.at[k, 0, pl.ds(n0, CHUNK)],
                                  in_v.at[0], sem),
            pltpu.make_async_copy(pos_h.at[k, 1, pl.ds(n0, CHUNK)],
                                  in_v.at[1], sem),
            pltpu.make_async_copy(vel_h.at[k, pl.ds(n0, CHUNK)],
                                  in_v.at[2], sem),
            pltpu.make_async_copy(flx_h.at[k, pl.ds(n0, CHUNK)],
                                  in_v.at[3], sem),
        )

    def _compute_chunk(in_v, idx_v, val_v):
        def _vec_body(i, _):
            s = i * LANES
            ra = in_v[0, pl.ds(s, LANES)]
            de = in_v[1, pl.ds(s, LANES)]
            ve = in_v[2, pl.ds(s, LANES)]
            fl = in_v[3, pl.ds(s, LANES)]

            x = ra * inv_p + off_p
            y = de * inv_p + off_p
            v = ve * inv_dv + off_v

            ix0 = x.astype(jnp.int32)
            iy0 = y.astype(jnp.int32)
            iv0 = v.astype(jnp.int32)
            fx = x - ix0.astype(jnp.float32)
            fy = y - iy0.astype(jnp.float32)
            fv = v - iv0.astype(jnp.float32)

            m = (
                (x >= 0.0) & (x < NPIX_HI - 1)
                & (y >= 0.0) & (y < NPIX_HI - 1)
                & (v >= 0.0) & (v < NV - 1)
            )
            f = jnp.where(m, fl, jnp.float32(0.0)) * sixteenth

            ix0 = jnp.clip(ix0, 0, NPIX_HI - 2)
            iy0 = jnp.clip(iy0, 0, NPIX_HI - 2)
            iv0 = jnp.clip(iv0, 0, NV - 2)

            jx0 = jnp.right_shift(ix0, 2)
            jx1 = jnp.right_shift(ix0 + 1, 2)
            jy0 = jnp.right_shift(iy0, 2)
            jy1 = jnp.right_shift(iy0 + 1, 2)

            av0 = iv0 * (NPIX_LO * NPIX_LO)
            av1 = av0 + (NPIX_LO * NPIX_LO)
            by0 = jy0 * NPIX_LO
            by1 = jy1 * NPIX_LO
            c00 = av0 + by0
            c01 = av0 + by1
            c10 = av1 + by0
            c11 = av1 + by1

            p = f * fv
            h1 = p * fy
            q = f - p
            h0 = q - q * fy
            a1 = h0 * fx
            a0 = h0 - a1
            b1 = h1 * fx
            b0 = h1 - b1

            o = i * (8 * LANES)
            idx_v[pl.ds(o + 0 * LANES, LANES)] = c00 + jx0
            val_v[pl.ds(o + 0 * LANES, LANES)] = a0
            idx_v[pl.ds(o + 1 * LANES, LANES)] = c00 + jx1
            val_v[pl.ds(o + 1 * LANES, LANES)] = a1
            idx_v[pl.ds(o + 2 * LANES, LANES)] = c01 + jx0
            val_v[pl.ds(o + 2 * LANES, LANES)] = a0
            idx_v[pl.ds(o + 3 * LANES, LANES)] = c01 + jx1
            val_v[pl.ds(o + 3 * LANES, LANES)] = a1
            idx_v[pl.ds(o + 4 * LANES, LANES)] = c10 + jx0
            val_v[pl.ds(o + 4 * LANES, LANES)] = b0
            idx_v[pl.ds(o + 5 * LANES, LANES)] = c10 + jx1
            val_v[pl.ds(o + 5 * LANES, LANES)] = b1
            idx_v[pl.ds(o + 6 * LANES, LANES)] = c11 + jx0
            val_v[pl.ds(o + 6 * LANES, LANES)] = b0
            idx_v[pl.ds(o + 7 * LANES, LANES)] = c11 + jx1
            val_v[pl.ds(o + 7 * LANES, LANES)] = b1
            return 0

        lax.fori_loop(0, N_VECS, _vec_body, 0)

    def _scat(idx_v, val_v, sem):
        return pltpu.make_async_copy(val_v, cube_sh.at[idx_v], sem)

    last = jnp.int32(N_CHUNKS - 1)
    for d in _in_descs(jnp.int32(0), in_a, sem_ia):
        d.start()

    def _pair_body(g, _):
        ch_a = g * 2
        ch_b = ch_a + 1
        for d in _in_descs(ch_a, in_a, sem_ia):
            d.wait()
        for d in _in_descs(ch_b, in_b, sem_ib):
            d.start()
        _compute_chunk(in_a, idx_a, val_a)
        @pl.when(g > 0)
        def _():
            _scat(idx_b, val_b, sem_b).wait()
        _scat(idx_a, val_a, sem_a).start(add=True)

        for d in _in_descs(ch_b, in_b, sem_ib):
            d.wait()
        for d in _in_descs(jnp.minimum(ch_b + 1, last), in_a, sem_ia):
            d.start()
        _compute_chunk(in_b, idx_b, val_b)
        _scat(idx_a, val_a, sem_a).wait()
        _scat(idx_b, val_b, sem_b).start(add=True)
        return 0

    lax.fori_loop(0, N_CHUNKS // 2, _pair_body, 0)
    _scat(idx_b, val_b, sem_b).wait()
    for d in _in_descs(last, in_a, sem_ia):
        d.wait()
    plsc.subcore_barrier()

    wb = words_per_tile // 8
    def _wb_body(j, _):
        o = sid * words_per_tile + j * wb
        pltpu.sync_copy(cube_sh.at[pl.ds(o, wb)], out_h.at[cid, pl.ds(o, wb)])
        return 0
    lax.fori_loop(0, 8, _wb_body, 0)


def _merge_body(p_ref, o_ref):
    o_ref[...] = p_ref[0] + p_ref[1]


def kernel(pos_img, vel_chan, flux):
    N, K, _ = pos_img.shape
    assert N * K == M_TOTAL
    m = M_TOTAL
    pos_t = pos_img.transpose(1, 2, 0)
    vel_t = vel_chan.T
    flx_t = flux.T

    partial = _sc_splat(pos_t, vel_t, flx_t)

    merged = pl.pallas_call(
        _merge_body,
        grid=(8,),
        in_specs=[pl.BlockSpec((NC, 8, 16384), lambda i: (0, i, 0))],
        out_specs=pl.BlockSpec((8, 16384), lambda i: (i, 0)),
        out_shape=jax.ShapeDtypeStruct((NV, 16384), jnp.float32),
    )(partial.reshape(NC, NV, 16384))
    return merged.reshape(NV, NPIX_LO, NPIX_LO)

# --- scband reference (transcript-rebuilt; emitter-appended) ---
"""Pipeline reference for scband-cloud-rasterizer-oversample-49675591745756 (READ-ONLY COPY).

The authoritative reference and input builder live on the scoring server;
editing this copy changes nothing except your own understanding.
"""

import jax, jax.numpy as jnp
import numpy as np

OVERSAMP = 4
NV = 64
NPIX_LO = 128
PIXSCALE_LO = 0.1
VEL0 = -500.0
DV = 1000.0 / (NV - 1)
NPIX_HI = NPIX_LO * OVERSAMP
PIXSCALE_HI = PIXSCALE_LO / OVERSAMP
FOV_HALF_HI = 0.5 * (NPIX_HI - 1) * PIXSCALE_HI


def setup_inputs(seed: int = 0) -> dict:
    key = jax.random.key(seed)
    k1, k2, k3 = jax.random.split(key, 3)
    N, K = 262144, 8
    # positions (arcsec): mostly inside the hi-res FOV (fov_half_hi ~ 6.3875)
    pos_img = (jax.random.uniform(k1, (N, K, 2), dtype=jnp.float32) * 2.0 - 1.0) * 5.0
    # velocities (km/s): inside [vel0, vel0 + (Nv-1)*dv) = [-500, 500)
    vel_chan = jax.random.uniform(k2, (N, K), dtype=jnp.float32) * 900.0 - 450.0
    flux = jax.random.uniform(k3, (N, K), dtype=jnp.float32)
    return {"pos_img": pos_img, "vel_chan": vel_chan, "flux": flux}


def reference(pos_img, vel_chan, flux):
    N, K, _ = pos_img.shape
    M = N * K
    ra = pos_img[..., 0].reshape(M)
    dec = pos_img[..., 1].reshape(M)
    vel = vel_chan.reshape(M)
    flx = flux.reshape(M)

    x = (ra + FOV_HALF_HI) / PIXSCALE_HI
    y = (dec + FOV_HALF_HI) / PIXSCALE_HI
    v = (vel - VEL0) / DV

    ix0 = jnp.floor(x).astype(jnp.int32); fx = x - ix0.astype(x.dtype)
    iy0 = jnp.floor(y).astype(jnp.int32); fy = y - iy0.astype(y.dtype)
    iv0 = jnp.floor(v).astype(jnp.int32); fv = v - iv0.astype(v.dtype)

    mask = (ix0 >= 0) & (ix0 < NPIX_HI - 1) & (iy0 >= 0) & (iy0 < NPIX_HI - 1) & (iv0 >= 0) & (iv0 < NV - 1)
    # static-shape equivalent of boolean compaction: zero out masked flux, clamp indices
    ix0 = jnp.clip(ix0, 0, NPIX_HI - 2)
    iy0 = jnp.clip(iy0, 0, NPIX_HI - 2)
    iv0 = jnp.clip(iv0, 0, NV - 2)
    flx = jnp.where(mask, flx, 0.0)

    ix1, iy1, iv1 = ix0 + 1, iy0 + 1, iv0 + 1
    wx0, wy0, wv0 = 1.0 - fx, 1.0 - fy, 1.0 - fv
    wx1, wy1, wv1 = fx, fy, fv

    ix = jnp.stack([ix0, ix0, ix0, ix0, ix1, ix1, ix1, ix1], axis=1)
    iy = jnp.stack([iy0, iy0, iy1, iy1, iy0, iy0, iy1, iy1], axis=1)
    iv = jnp.stack([iv0, iv1, iv0, iv1, iv0, iv1, iv0, iv1], axis=1)
    wx = jnp.stack([wx0, wx0, wx0, wx0, wx1, wx1, wx1, wx1], axis=1)
    wy = jnp.stack([wy0, wy1, wy0, wy1, wy0, wy1, wy0, wy1], axis=1)
    wv = jnp.stack([wv0, wv1, wv0, wv1, wv0, wv1, wv0, wv1], axis=1)

    f_w = flx[:, None] * (wx * wy * wv)
    idx_flat = (iv * NPIX_HI + iy) * NPIX_HI + ix

    cube_flat = jnp.zeros(NV * NPIX_HI * NPIX_HI, dtype=flx.dtype)
    cube_flat = cube_flat.at[idx_flat.reshape(-1)].add(f_w.reshape(-1))
    cube_hi = cube_flat.reshape(NV, NPIX_LO, OVERSAMP, NPIX_LO, OVERSAMP)
    cube_lo = cube_hi.mean(axis=(-1, -3))
    return cube_lo

if __name__ == "__main__":
    import jax
    _d = setup_inputs()
    print(jax.jit(kernel)(*tuple(_d.values())))

</pallas_src>

<mosaic_0001>
#map = affine_map<(d0, d1) -> (0, 0, 0)>
#map1 = affine_map<(d0, d1) -> (0, 0)>
module attributes {stable_mosaic.version = 14 : i64} {
  func.func @_sc_splat(%arg0: i32, %arg1: i32, %arg2: memref<8x2x262144xf32, #tpu.memory_space<hbm>>, %arg3: memref<8x262144xf32, #tpu.memory_space<hbm>>, %arg4: memref<8x262144xf32, #tpu.memory_space<hbm>>, %arg5: memref<2x1048576xf32, #tpu.memory_space<hbm>>, %arg6: memref<4x1024xf32, #tpu.memory_space<vmem>>, %arg7: memref<4x1024xf32, #tpu.memory_space<vmem>>, %arg8: memref<8192xi32, #tpu.memory_space<vmem>>, %arg9: memref<8192xf32, #tpu.memory_space<vmem>>, %arg10: memref<8192xi32, #tpu.memory_space<vmem>>, %arg11: memref<8192xf32, #tpu.memory_space<vmem>>, %arg12: memref<1048576xf32, #tpu.memory_space<vmem_shared>>, %arg13: memref<!tpu.dma_semaphore, #tpu.memory_space<semaphore_mem>>, %arg14: memref<!tpu.dma_semaphore, #tpu.memory_space<semaphore_mem>>, %arg15: memref<!tpu.dma_semaphore, #tpu.memory_space<semaphore_mem>>, %arg16: memref<!tpu.dma_semaphore, #tpu.memory_space<semaphore_mem>>) attributes {dimension_semantics = [#tpu.dimension_semantics<core_parallel>, #tpu.dimension_semantics<subcore_parallel>], iteration_bounds = array<i64: 2, 16>, scalar_prefetch = 0 : i64, scratch_operands = 11 : i64, tpu.core_type = #tpu.core_type<sc_vector_subcore>, window_params = [{transform_indices = #map}, {transform_indices = #map1}, {transform_indices = #map1}, {transform_indices = #map1}]} {
    %mul3A = arith.constant 16 : i32
    %mul3A_0 = arith.muli %arg0, %mul3A : i32
    %add3A = arith.addi %mul3A_0, %arg1 : i32
    %scan3A = arith.constant 0 : i32
    %scan3A_1 = arith.constant 0 : i32
    %scan3A_2 = arith.constant 512 : i32
    %scan3A_3 = arith.addi %scan3A_1, %scan3A_2 : i32
    %scan3A_4 = arith.constant 1 : i32
    %scan3A_5 = scf.for %scan3A_211 = %scan3A_1 to %scan3A_3 step %scan3A_4 iter_args(%scan3A_212 = %scan3A) -> (i32)  : i32 {
      %broadcast_in_dim3A = arith.constant 0.000000e+00 : f32
      %broadcast_in_dim3A_213 = vector.broadcast %broadcast_in_dim3A : f32 to vector<16xf32>
      %mul3A_214 = arith.constant 16 : i32
      %mul3A_215 = arith.muli %scan3A_211, %mul3A_214 : i32
      %swap3A = arith.index_cast %mul3A_215 : i32 to index
      %swap3A_216 = tpu.vector_load %arg9[%swap3A] {strides = array<i32>} : memref<8192xf32, #tpu.memory_space<vmem>>, vector<16xf32>,
      %swap3A_217 = vector.shape_cast %swap3A_216 : vector<16xf32> to vector<16xf32>
      %swap3A_218 = vector.shape_cast %broadcast_in_dim3A_213 : vector<16xf32> to vector<16xf32>
      tpu.vector_store %arg9[%swap3A], %swap3A_218 {strides = array<i32>} : memref<8192xf32, #tpu.memory_space<vmem>>, vector<16xf32>,
      %scan3A_219 = arith.constant 0 : i32
      scf.yield %scan3A_219 : i32
    }
    %scan3A_6 = arith.constant 512 : i32
    %scan3A_7 = arith.constant 0 : i32
    %scan3A_8 = arith.constant 0 : i32
    %scan3A_9 = arith.constant 16 : i32
    %scan3A_10 = arith.addi %scan3A_8, %scan3A_9 : i32
    %scan3A_11 = arith.constant 1 : i32
    %scan3A_12 = scf.for %scan3A_211 = %scan3A_8 to %scan3A_10 step %scan3A_11 iter_args(%scan3A_212 = %scan3A_7) -> (i32)  : i32 {
      %mul3A_213 = arith.constant 65536 : i32
      %mul3A_214 = arith.muli %arg1, %mul3A_213 : i32
      %mul3A_215 = arith.constant 4096 : i32
      %mul3A_216 = arith.muli %scan3A_211, %mul3A_215 : i32
      %add3A_217 = arith.addi %mul3A_214, %mul3A_216 : i32
      "tpu.region"() ({
        %run_scoped3A = tpu.sem_alloc : memref<!tpu.dma_semaphore, #tpu.memory_space<semaphore_mem>>
        %dma_start3A_219 = arith.constant 0 : i32
        %dma_start3A_220 = tpu.memref_slice %arg9[%dma_start3A_219] : memref<8192xf32, #tpu.memory_space<vmem>> -> memref<4096xf32, #tpu.memory_space<vmem>>
        %dma_start3A_221 = tpu.memref_slice %arg12[%add3A_217] : memref<1048576xf32, #tpu.memory_space<vmem_shared>> -> memref<4096xf32, #tpu.memory_space<vmem_shared>>
        %dma_start3A_222 = tpu.memref_slice %arg12[%add3A_217] : memref<1048576xf32, #tpu.memory_space<vmem_shared>> -> memref<4096xf32, #tpu.memory_space<vmem_shared>>
        %dma_start3A_223 = arith.constant 0 : i32
        %dma_start3A_224 = tpu.memref_slice %arg9[%dma_start3A_223] : memref<8192xf32, #tpu.memory_space<vmem>> -> memref<4096xf32, #tpu.memory_space<vmem>>
        tpu.enqueue_dma source(%dma_start3A_224 : memref<4096xf32, #tpu.memory_space<vmem>>) target(%dma_start3A_222 : memref<4096xf32, #tpu.memory_space<vmem_shared>>) target_semaphore(%run_scoped3A : memref<!tpu.dma_semaphore, #tpu.memory_space<semaphore_mem>>)
        %dma_wait3A_225 = arith.constant 0 : i32
        %dma_wait3A_226 = tpu.memref_slice %arg9[%dma_wait3A_225] : memref<8192xf32, #tpu.memory_space<vmem>> -> memref<4096xf32, #tpu.memory_space<vmem>>
        %dma_wait3A_227 = tpu.memref_slice %arg12[%add3A_217] : memref<1048576xf32, #tpu.memory_space<vmem_shared>> -> memref<4096xf32, #tpu.memory_space<vmem_shared>>
        %dma_wait3A_228 = tpu.memref_slice %arg12[%add3A_217] : memref<1048576xf32, #tpu.memory_space<vmem_shared>> -> memref<4096xf32, #tpu.memory_space<vmem_shared>>
        %dma_wait3A_229 = arith.constant 0 : i32
        %dma_wait3A_230 = tpu.memref_slice %arg9[%dma_wait3A_229] : memref<8192xf32, #tpu.memory_space<vmem>> -> memref<4096xf32, #tpu.memory_space<vmem>>
        tpu.wait_dma2 semaphore(%run_scoped3A : memref<!tpu.dma_semaphore, #tpu.memory_space<semaphore_mem>>) src(%dma_wait3A_230 : memref<4096xf32, #tpu.memory_space<vmem>>) dst(%dma_wait3A_228 : memref<4096xf32, #tpu.memory_space<vmem_shared>>)
        tpu.yield
      }) : () -> ()
      %scan3A_218 = arith.constant 0 : i32
      scf.yield %scan3A_218 : i32
    }
    %scan3A_13 = arith.constant 16 : i32
    %barrier3A = arith.constant 0 : index
    tpu.barrier barrier_id(%barrier3A)
    %jit3A = arith.constant 0 : i32
    %jit3A_14 = arith.constant 8 : i32
    %div3A = arith.divsi %jit3A, %jit3A_14 : i32
    %sign3A = arith.constant 0 : i32
    %sign3A_15 = arith.cmpi sgt, %jit3A, %sign3A : i32
    %sign3A_16 = arith.extui %sign3A_15 : i1 to i32
    %sign3A_17 = arith.constant 0 : i32
    %sign3A_18 = arith.cmpi slt, %jit3A, %sign3A_17 : i32
    %sign3A_19 = arith.extui %sign3A_18 : i1 to i32
    %sign3A_20 = arith.subi %sign3A_16, %sign3A_19 : i32
    %sign3A_21 = arith.constant 0 : i32
    %sign3A_22 = arith.cmpi sgt, %jit3A_14, %sign3A_21 : i32
    %sign3A_23 = arith.extui %sign3A_22 : i1 to i32
    %sign3A_24 = arith.constant 0 : i32
    %sign3A_25 = arith.cmpi slt, %jit3A_14, %sign3A_24 : i32
    %sign3A_26 = arith.extui %sign3A_25 : i1 to i32
    %sign3A_27 = arith.subi %sign3A_23, %sign3A_26 : i32
    %ne3A = arith.cmpi ne, %sign3A_20, %sign3A_27 : i32
    %rem3A = arith.remsi %jit3A, %jit3A_14 : i32
    %ne3A_28 = arith.constant 0 : i32
    %ne3A_29 = arith.cmpi ne, %rem3A, %ne3A_28 : i32
    %and3A = arith.andi %ne3A, %ne3A_29 : i1
    %sub3A = arith.constant 1 : i32
    %sub3A_30 = arith.subi %div3A, %sub3A : i32
    %select_n3A = arith.select %and3A, %sub3A_30, %div3A : i32
    %jit3A_31 = arith.constant 0 : i32
    %jit3A_32 = arith.constant 8 : i32
    %eq3A = arith.constant 0 : i32
    %eq3A_33 = arith.cmpi eq, %jit3A_32, %eq3A : i32
    %jit3A_34 = arith.constant 1 : i32
    %select_n3A_35 = arith.select %eq3A_33, %jit3A_34, %jit3A_32 : i32
    %rem3A_36 = arith.remsi %jit3A_31, %select_n3A_35 : i32
    %ne3A_37 = arith.constant 0 : i32
    %ne3A_38 = arith.cmpi ne, %rem3A_36, %ne3A_37 : i32
    %lt3A = arith.constant 0 : i32
    %lt3A_39 = arith.cmpi slt, %rem3A_36, %lt3A : i32
    %lt3A_40 = arith.constant 0 : i32
    %lt3A_41 = arith.cmpi slt, %select_n3A_35, %lt3A_40 : i32
    %ne3A_42 = arith.xori %lt3A_39, %lt3A_41 : i1
    %and3A_43 = arith.andi %ne3A_42, %ne3A_38 : i1
    %add3A_44 = arith.addi %rem3A_36, %select_n3A_35 : i32
    %select_n3A_45 = arith.select %and3A_43, %add3A_44, %rem3A_36 : i32
    %mul3A_46 = arith.constant 8192 : i32
    %mul3A_47 = arith.muli %add3A, %mul3A_46 : i32
    %mul3A_48 = arith.constant 1024 : i32
    %mul3A_49 = arith.muli %select_n3A_45, %mul3A_48 : i32
    %add3A_50 = arith.addi %mul3A_47, %mul3A_49 : i32
    %dma_start3A = arith.constant 0 : i32
    %dma_start3A_51 = arith.constant 0 : i32
    %dma_start3A_52 = arith.constant 0 : i32
    %dma_start3A_53 = tpu.memref_slice %arg6[%dma_start3A_51, %dma_start3A_52] : memref<4x1024xf32, #tpu.memory_space<vmem>> -> memref<1x1024xf32, #tpu.memory_space<vmem>>
    %dma_start3A_54 = tpu.memref_squeeze %dma_start3A_53 : memref<1x1024xf32, #tpu.memory_space<vmem>> -> memref<1024xf32, #tpu.memory_space<vmem>>
    %dma_start3A_55 = tpu.memref_slice %arg2[%select_n3A, %dma_start3A, %add3A_50] : memref<8x2x262144xf32, #tpu.memory_space<hbm>> -> memref<1x1x1024xf32, #tpu.memory_space<hbm>>
    %dma_start3A_56 = tpu.memref_squeeze %dma_start3A_55 : memref<1x1x1024xf32, #tpu.memory_space<hbm>> -> memref<1024xf32, #tpu.memory_space<hbm>>
    %dma_start3A_57 = arith.constant 0 : i32
    %dma_start3A_58 = tpu.memref_slice %arg6[%dma_start3A_51, %dma_start3A_57] : memref<4x1024xf32, #tpu.memory_space<vmem>> -> memref<1x1024xf32, #tpu.memory_space<vmem>>
    %dma_start3A_59 = tpu.memref_squeeze %dma_start3A_58 : memref<1x1024xf32, #tpu.memory_space<vmem>> -> memref<1024xf32, #tpu.memory_space<vmem>>
    %dma_start3A_60 = tpu.memref_slice %arg2[%select_n3A, %dma_start3A, %add3A_50] : memref<8x2x262144xf32, #tpu.memory_space<hbm>> -> memref<1x1x1024xf32, #tpu.memory_space<hbm>>
    %dma_start3A_61 = tpu.memref_squeeze %dma_start3A_60 : memref<1x1x1024xf32, #tpu.memory_space<hbm>> -> memref<1024xf32, #tpu.memory_space<hbm>>
    tpu.enqueue_dma source(%dma_start3A_61 : memref<1024xf32, #tpu.memory_space<hbm>>) target(%dma_start3A_59 : memref<1024xf32, #tpu.memory_space<vmem>>) target_semaphore(%arg15 : memref<!tpu.dma_semaphore, #tpu.memory_space<semaphore_mem>>)
    %dma_start3A_62 = arith.constant 1 : i32
    %dma_start3A_63 = arith.constant 1 : i32
    %dma_start3A_64 = arith.constant 0 : i32
    %dma_start3A_65 = tpu.memref_slice %arg6[%dma_start3A_63, %dma_start3A_64] : memref<4x1024xf32, #tpu.memory_space<vmem>> -> memref<1x1024xf32, #tpu.memory_space<vmem>>
    %dma_start3A_66 = tpu.memref_squeeze %dma_start3A_65 : memref<1x1024xf32, #tpu.memory_space<vmem>> -> memref<1024xf32, #tpu.memory_space<vmem>>
    %dma_start3A_67 = tpu.memref_slice %arg2[%select_n3A, %dma_start3A_62, %add3A_50] : memref<8x2x262144xf32, #tpu.memory_space<hbm>> -> memref<1x1x1024xf32, #tpu.memory_space<hbm>>
    %dma_start3A_68 = tpu.memref_squeeze %dma_start3A_67 : memref<1x1x1024xf32, #tpu.memory_space<hbm>> -> memref<1024xf32, #tpu.memory_space<hbm>>
    %dma_start3A_69 = arith.constant 0 : i32
    %dma_start3A_70 = tpu.memref_slice %arg6[%dma_start3A_63, %dma_start3A_69] : memref<4x1024xf32, #tpu.memory_space<vmem>> -> memref<1x1024xf32, #tpu.memory_space<vmem>>
    %dma_start3A_71 = tpu.memref_squeeze %dma_start3A_70 : memref<1x1024xf32, #tpu.memory_space<vmem>> -> memref<1024xf32, #tpu.memory_space<vmem>>
    %dma_start3A_72 = tpu.memref_slice %arg2[%select_n3A, %dma_start3A_62, %add3A_50] : memref<8x2x262144xf32, #tpu.memory_space<hbm>> -> memref<1x1x1024xf32, #tpu.memory_space<hbm>>
    %dma_start3A_73 = tpu.memref_squeeze %dma_start3A_72 : memref<1x1x1024xf32, #tpu.memory_space<hbm>> -> memref<1024xf32, #tpu.memory_space<hbm>>
    tpu.enqueue_dma source(%dma_start3A_73 : memref<1024xf32, #tpu.memory_space<hbm>>) target(%dma_start3A_71 : memref<1024xf32, #tpu.memory_space<vmem>>) target_semaphore(%arg15 : memref<!tpu.dma_semaphore, #tpu.memory_space<semaphore_mem>>)
    %dma_start3A_74 = arith.constant 2 : i32
    %dma_start3A_75 = arith.constant 0 : i32
    %dma_start3A_76 = tpu.memref_slice %arg6[%dma_start3A_74, %dma_start3A_75] : memref<4x1024xf32, #tpu.memory_space<vmem>> -> memref<1x1024xf32, #tpu.memory_space<vmem>>
    %dma_start3A_77 = tpu.memref_squeeze %dma_start3A_76 : memref<1x1024xf32, #tpu.memory_space<vmem>> -> memref<1024xf32, #tpu.memory_space<vmem>>
    %dma_start3A_78 = tpu.memref_slice %arg3[%select_n3A, %add3A_50] : memref<8x262144xf32, #tpu.memory_space<hbm>> -> memref<1x1024xf32, #tpu.memory_space<hbm>>
    %dma_start3A_79 = tpu.memref_squeeze %dma_start3A_78 : memref<1x1024xf32, #tpu.memory_space<hbm>> -> memref<1024xf32, #tpu.memory_space<hbm>>
    %dma_start3A_80 = arith.constant 0 : i32
    %dma_start3A_81 = tpu.memref_slice %arg6[%dma_start3A_74, %dma_start3A_80] : memref<4x1024xf32, #tpu.memory_space<vmem>> -> memref<1x1024xf32, #tpu.memory_space<vmem>>
    %dma_start3A_82 = tpu.memref_squeeze %dma_start3A_81 : memref<1x1024xf32, #tpu.memory_space<vmem>> -> memref<1024xf32, #tpu.memory_space<vmem>>
    %dma_start3A_83 = tpu.memref_slice %arg3[%select_n3A, %add3A_50] : memref<8x262144xf32, #tpu.memory_space<hbm>> -> memref<1x1024xf32, #tpu.memory_space<hbm>>
    %dma_start3A_84 = tpu.memref_squeeze %dma_start3A_83 : memref<1x1024xf32, #tpu.memory_space<hbm>> -> memref<1024xf32, #tpu.memory_space<hbm>>
    tpu.enqueue_dma source(%dma_start3A_84 : memref<1024xf32, #tpu.memory_space<hbm>>) target(%dma_start3A_82 : memref<1024xf32, #tpu.memory_space<vmem>>) target_semaphore(%arg15 : memref<!tpu.dma_semaphore, #tpu.memory_space<semaphore_mem>>)
    %dma_start3A_85 = arith.constant 3 : i32
    %dma_start3A_86 = arith.constant 0 : i32
    %dma_start3A_87 = tpu.memref_slice %arg6[%dma_start3A_85, %dma_start3A_86] : memref<4x1024xf32, #tpu.memory_space<vmem>> -> memref<1x1024xf32, #tpu.memory_space<vmem>>
    %dma_start3A_88 = tpu.memref_squeeze %dma_start3A_87 : memref<1x1024xf32, #tpu.memory_space<vmem>> -> memref<1024xf32, #tpu.memory_space<vmem>>
    %dma_start3A_89 = tpu.memref_slice %arg4[%select_n3A, %add3A_50] : memref<8x262144xf32, #tpu.memory_space<hbm>> -> memref<1x1024xf32, #tpu.memory_space<hbm>>
    %dma_start3A_90 = tpu.memref_squeeze %dma_start3A_89 : memref<1x1024xf32, #tpu.memory_space<hbm>> -> memref<1024xf32, #tpu.memory_space<hbm>>
    %dma_start3A_91 = arith.constant 0 : i32
    %dma_start3A_92 = tpu.memref_slice %arg6[%dma_start3A_85, %dma_start3A_91] : memref<4x1024xf32, #tpu.memory_space<vmem>> -> memref<1x1024xf32, #tpu.memory_space<vmem>>
    %dma_start3A_93 = tpu.memref_squeeze %dma_start3A_92 : memref<1x1024xf32, #tpu.memory_space<vmem>> -> memref<1024xf32, #tpu.memory_space<vmem>>
    %dma_start3A_94 = tpu.memref_slice %arg4[%select_n3A, %add3A_50] : memref<8x262144xf32, #tpu.memory_space<hbm>> -> memref<1x1024xf32, #tpu.memory_space<hbm>>
    %dma_start3A_95 = tpu.memref_squeeze %dma_start3A_94 : memref<1x1024xf32, #tpu.memory_space<hbm>> -> memref<1024xf32, #tpu.memory_space<hbm>>
    tpu.enqueue_dma source(%dma_start3A_95 : memref<1024xf32, #tpu.memory_space<hbm>>) target(%dma_start3A_93 : memref<1024xf32, #tpu.memory_space<vmem>>) target_semaphore(%arg15 : memref<!tpu.dma_semaphore, #tpu.memory_space<semaphore_mem>>)
    %scan3A_96 = arith.constant 4.000000e+01 : f32
    %scan3A_97 = arith.constant 2.555000e+02 : f32
    %scan3A_98 = arith.constant 6.300000e-02 : f32
    %scan3A_99 = arith.constant 3.150000e+01 : f32
    %scan3A_100 = arith.constant 6.250000e-02 : f32
    %scan3A_101 = arith.constant 63 : i32
    %scan3A_102 = arith.constant 0 : i32
    %scan3A_103 = arith.constant 0 : i32
    %scan3A_104 = arith.constant 32 : i32
    %scan3A_105 = arith.addi %scan3A_103, %scan3A_104 : i32
    %scan3A_106 = arith.constant 1 : i32
    %scan3A_107 = scf.for %scan3A_211 = %scan3A_103 to %scan3A_105 step %scan3A_106 iter_args(%scan3A_212 = %scan3A_102) -> (i32)  : i32 {
      %mul3A_213 = arith.constant 2 : i32
      %mul3A_214 = arith.muli %scan3A_211, %mul3A_213 : i32
      %add3A_215 = arith.constant 1 : i32
      %add3A_216 = arith.addi %mul3A_214, %add3A_215 : i32
      %jit3A_217 = arith.constant 8 : i32
      %div3A_218 = arith.divsi %mul3A_214, %jit3A_217 : i32
      %sign3A_219 = arith.constant 0 : i32
      %sign3A_220 = arith.cmpi sgt, %mul3A_214, %sign3A_219 : i32
      %sign3A_221 = arith.extui %sign3A_220 : i1 to i32
      %sign3A_222 = arith.constant 0 : i32
      %sign3A_223 = arith.cmpi slt, %mul3A_214, %sign3A_222 : i32
      %sign3A_224 = arith.extui %sign3A_223 : i1 to i32
      %sign3A_225 = arith.subi %sign3A_221, %sign3A_224 : i32
      %sign3A_226 = arith.constant 0 : i32
      %sign3A_227 = arith.cmpi sgt, %jit3A_217, %sign3A_226 : i32
      %sign3A_228 = arith.extui %sign3A_227 : i1 to i32
      %sign3A_229 = arith.constant 0 : i32
      %sign3A_230 = arith.cmpi slt, %jit3A_217, %sign3A_229 : i32
      %sign3A_231 = arith.extui %sign3A_230 : i1 to i32
      %sign3A_232 = arith.subi %sign3A_228, %sign3A_231 : i32
      %ne3A_233 = arith.cmpi ne, %sign3A_225, %sign3A_232 : i32
      %rem3A_234 = arith.remsi %mul3A_214, %jit3A_217 : i32
      %ne3A_235 = arith.constant 0 : i32
      %ne3A_236 = arith.cmpi ne, %rem3A_234, %ne3A_235 : i32
      %and3A_237 = arith.andi %ne3A_233, %ne3A_236 : i1
      %sub3A_238 = arith.constant 1 : i32
      %sub3A_239 = arith.subi %div3A_218, %sub3A_238 : i32
      %select_n3A_240 = arith.select %and3A_237, %sub3A_239, %div3A_218 : i32
      %jit3A_241 = arith.constant 8 : i32
      %eq3A_242 = arith.constant 0 : i32
      %eq3A_243 = arith.cmpi eq, %jit3A_241, %eq3A_242 : i32
      %jit3A_244 = arith.constant 1 : i32
      %select_n3A_245 = arith.select %eq3A_243, %jit3A_244, %jit3A_241 : i32
      %rem3A_246 = arith.remsi %mul3A_214, %select_n3A_245 : i32
      %ne3A_247 = arith.constant 0 : i32
      %ne3A_248 = arith.cmpi ne, %rem3A_246, %ne3A_247 : i32
      %lt3A_249 = arith.constant 0 : i32
      %lt3A_250 = arith.cmpi slt, %rem3A_246, %lt3A_249 : i32
      %lt3A_251 = arith.constant 0 : i32
      %lt3A_252 = arith.cmpi slt, %select_n3A_245, %lt3A_251 : i32
      %ne3A_253 = arith.xori %lt3A_250, %lt3A_252 : i1
      %and3A_254 = arith.andi %ne3A_253, %ne3A_248 : i1
      %add3A_255 = arith.addi %rem3A_246, %select_n3A_245 : i32
      %select_n3A_256 = arith.select %and3A_254, %add3A_255, %rem3A_246 : i32
      %mul3A_257 = arith.constant 8192 : i32
      %mul3A_258 = arith.muli %add3A, %mul3A_257 : i32
      %mul3A_259 = arith.constant 1024 : i32
      %mul3A_260 = arith.muli %select_n3A_256, %mul3A_259 : i32
      %add3A_261 = arith.addi %mul3A_258, %mul3A_260 : i32
      %dma_wait3A_262 = arith.constant 0 : i32
      %dma_wait3A_263 = arith.constant 0 : i32
      %dma_wait3A_264 = arith.constant 0 : i32
      %dma_wait3A_265 = tpu.memref_slice %arg6[%dma_wait3A_263, %dma_wait3A_264] : memref<4x1024xf32, #tpu.memory_space<vmem>> -> memref<1x1024xf32, #tpu.memory_space<vmem>>
      %dma_wait3A_266 = tpu.memref_squeeze %dma_wait3A_265 : memref<1x1024xf32, #tpu.memory_space<vmem>> -> memref<1024xf32, #tpu.memory_space<vmem>>
      %dma_wait3A_267 = tpu.memref_slice %arg2[%select_n3A_240, %dma_wait3A_262, %add3A_261] : memref<8x2x262144xf32, #tpu.memory_space<hbm>> -> memref<1x1x1024xf32, #tpu.memory_space<hbm>>
      %dma_wait3A_268 = tpu.memref_squeeze %dma_wait3A_267 : memref<1x1x1024xf32, #tpu.memory_space<hbm>> -> memref<1024xf32, #tpu.memory_space<hbm>>
      %dma_wait3A_269 = arith.constant 0 : i32
      %dma_wait3A_270 = tpu.memref_slice %arg6[%dma_wait3A_263, %dma_wait3A_269] : memref<4x1024xf32, #tpu.memory_space<vmem>> -> memref<1x1024xf32, #tpu.memory_space<vmem>>
      %dma_wait3A_271 = tpu.memref_squeeze %dma_wait3A_270 : memref<1x1024xf32, #tpu.memory_space<vmem>> -> memref<1024xf32, #tpu.memory_space<vmem>>
      %dma_wait3A_272 = tpu.memref_slice %arg2[%select_n3A_240, %dma_wait3A_262, %add3A_261] : memref<8x2x262144xf32, #tpu.memory_space<hbm>> -> memref<1x1x1024xf32, #tpu.memory_space<hbm>>
      %dma_wait3A_273 = tpu.memref_squeeze %dma_wait3A_272 : memref<1x1x1024xf32, #tpu.memory_space<hbm>> -> memref<1024xf32, #tpu.memory_space<hbm>>
      tpu.wait_dma2 semaphore(%arg15 : memref<!tpu.dma_semaphore, #tpu.memory_space<semaphore_mem>>) src(%dma_wait3A_273 : memref<1024xf32, #tpu.memory_space<hbm>>) dst(%dma_wait3A_271 : memref<1024xf32, #tpu.memory_space<vmem>>)
      %dma_wait3A_274 = arith.constant 1 : i32
      %dma_wait3A_275 = arith.constant 1 : i32
      %dma_wait3A_276 = arith.constant 0 : i32
      %dma_wait3A_277 = tpu.memref_slice %arg6[%dma_wait3A_275, %dma_wait3A_276] : memref<4x1024xf32, #tpu.memory_space<vmem>> -> memref<1x1024xf32, #tpu.memory_space<vmem>>
      %dma_wait3A_278 = tpu.memref_squeeze %dma_wait3A_277 : memref<1x1024xf32, #tpu.memory_space<vmem>> -> memref<1024xf32, #tpu.memory_space<vmem>>
      %dma_wait3A_279 = tpu.memref_slice %arg2[%select_n3A_240, %dma_wait3A_274, %add3A_261] : memref<8x2x262144xf32, #tpu.memory_space<hbm>> -> memref<1x1x1024xf32, #tpu.memory_space<hbm>>
      %dma_wait3A_280 = tpu.memref_squeeze %dma_wait3A_279 : memref<1x1x1024xf32, #tpu.memory_space<hbm>> -> memref<1024xf32, #tpu.memory_space<hbm>>
      %dma_wait3A_281 = arith.constant 0 : i32
      %dma_wait3A_282 = tpu.memref_slice %arg6[%dma_wait3A_275, %dma_wait3A_281] : memref<4x1024xf32, #tpu.memory_space<vmem>> -> memref<1x1024xf32, #tpu.memory_space<vmem>>
      %dma_wait3A_283 = tpu.memref_squeeze %dma_wait3A_282 : memref<1x1024xf32, #tpu.memory_space<vmem>> -> memref<1024xf32, #tpu.memory_space<vmem>>
      %dma_wait3A_284 = tpu.memref_slice %arg2[%select_n3A_240, %dma_wait3A_274, %add3A_261] : memref<8x2x262144xf32, #tpu.memory_space<hbm>> -> memref<1x1x1024xf32, #tpu.memory_space<hbm>>
      %dma_wait3A_285 = tpu.memref_squeeze %dma_wait3A_284 : memref<1x1x1024xf32, #tpu.memory_space<hbm>> -> memref<1024xf32, #tpu.memory_space<hbm>>
      tpu.wait_dma2 semaphore(%arg15 : memref<!tpu.dma_semaphore, #tpu.memory_space<semaphore_mem>>) src(%dma_wait3A_285 : memref<1024xf32, #tpu.memory_space<hbm>>) dst(%dma_wait3A_283 : memref<1024xf32, #tpu.memory_space<vmem>>)
      %dma_wait3A_286 = arith.constant 2 : i32
      %dma_wait3A_287 = arith.constant 0 : i32
      %dma_wait3A_288 = tpu.memref_slice %arg6[%dma_wait3A_286, %dma_wait3A_287] : memref<4x1024xf32, #tpu.memory_space<vmem>> -> memref<1x1024xf32, #tpu.memory_space<vmem>>
      %dma_wait3A_289 = tpu.memref_squeeze %dma_wait3A_288 : memref<1x1024xf32, #tpu.memory_space<vmem>> -> memref<1024xf32, #tpu.memory_space<vmem>>
      %dma_wait3A_290 = tpu.memref_slice %arg3[%select_n3A_240, %add3A_261] : memref<8x262144xf32, #tpu.memory_space<hbm>> -> memref<1x1024xf32, #tpu.memory_space<hbm>>
      %dma_wait3A_291 = tpu.memref_squeeze %dma_wait3A_290 : memref<1x1024xf32, #tpu.memory_space<hbm>> -> memref<1024xf32, #tpu.memory_space<hbm>>
      %dma_wait3A_292 = arith.constant 0 : i32
      %dma_wait3A_293 = tpu.memref_slice %arg6[%dma_wait3A_286, %dma_wait3A_292] : memref<4x1024xf32, #tpu.memory_space<vmem>> -> memref<1x1024xf32, #tpu.memory_space<vmem>>
      %dma_wait3A_294 = tpu.memref_squeeze %dma_wait3A_293 : memref<1x1024xf32, #tpu.memory_space<vmem>> -> memref<1024xf32, #tpu.memory_space<vmem>>
      %dma_wait3A_295 = tpu.memref_slice %arg3[%select_n3A_240, %add3A_261] : memref<8x262144xf32, #tpu.memory_space<hbm>> -> memref<1x1024xf32, #tpu.memory_space<hbm>>
      %dma_wait3A_296 = tpu.memref_squeeze %dma_wait3A_295 : memref<1x1024xf32, #tpu.memory_space<hbm>> -> memref<1024xf32, #tpu.memory_space<hbm>>
      tpu.wait_dma2 semaphore(%arg15 : memref<!tpu.dma_semaphore, #tpu.memory_space<semaphore_mem>>) src(%dma_wait3A_296 : memref<1024xf32, #tpu.memory_space<hbm>>) dst(%dma_wait3A_294 : memref<1024xf32, #tpu.memory_space<vmem>>)
      %dma_wait3A_297 = arith.constant 3 : i32
      %dma_wait3A_298 = arith.constant 0 : i32
      %dma_wait3A_299 = tpu.memref_slice %arg6[%dma_wait3A_297, %dma_wait3A_298] : memref<4x1024xf32, #tpu.memory_space<vmem>> -> memref<1x1024xf32, #tpu.memory_space<vmem>>
      %dma_wait3A_300 = tpu.memref_squeeze %dma_wait3A_299 : memref<1x1024xf32, #tpu.memory_space<vmem>> -> memref<1024xf32, #tpu.memory_space<vmem>>
      %dma_wait3A_301 = tpu.memref_slice %arg4[%select_n3A_240, %add3A_261] : memref<8x262144xf32, #tpu.memory_space<hbm>> -> memref<1x1024xf32, #tpu.memory_space<hbm>>
      %dma_wait3A_302 = tpu.memref_squeeze %dma_wait3A_301 : memref<1x1024xf32, #tpu.memory_space<hbm>> -> memref<1024xf32, #tpu.memory_space<hbm>>
      %dma_wait3A_303 = arith.constant 0 : i32
      %dma_wait3A_304 = tpu.memref_slice %arg6[%dma_wait3A_297, %dma_wait3A_303] : memref<4x1024xf32, #tpu.memory_space<vmem>> -> memref<1x1024xf32, #tpu.memory_space<vmem>>
      %dma_wait3A_305 = tpu.memref_squeeze %dma_wait3A_304 : memref<1x1024xf32, #tpu.memory_space<vmem>> -> memref<1024xf32, #tpu.memory_space<vmem>>
      %dma_wait3A_306 = tpu.memref_slice %arg4[%select_n3A_240, %add3A_261] : memref<8x262144xf32, #tpu.memory_space<hbm>> -> memref<1x1024xf32, #tpu.memory_space<hbm>>
      %dma_wait3A_307 = tpu.memref_squeeze %dma_wait3A_306 : memref<1x1024xf32, #tpu.memory_space<hbm>> -> memref<1024xf32, #tpu.memory_space<hbm>>
      tpu.wait_dma2 semaphore(%arg15 : memref<!tpu.dma_semaphore, #tpu.memory_space<semaphore_mem>>) src(%dma_wait3A_307 : memref<1024xf32, #tpu.memory_space<hbm>>) dst(%dma_wait3A_305 : memref<1024xf32, #tpu.memory_space<vmem>>)
      %jit3A_308 = arith.constant 8 : i32
      %div3A_309 = arith.divsi %add3A_216, %jit3A_308 : i32
      %sign3A_310 = arith.constant 0 : i32
      %sign3A_311 = arith.cmpi sgt, %add3A_216, %sign3A_310 : i32
      %sign3A_312 = arith.extui %sign3A_311 : i1 to i32
      %sign3A_313 = arith.constant 0 : i32
      %sign3A_314 = arith.cmpi slt, %add3A_216, %sign3A_313 : i32
      %sign3A_315 = arith.extui %sign3A_314 : i1 to i32
      %sign3A_316 = arith.subi %sign3A_312, %sign3A_315 : i32
      %sign3A_317 = arith.constant 0 : i32
      %sign3A_318 = arith.cmpi sgt, %jit3A_308, %sign3A_317 : i32
      %sign3A_319 = arith.extui %sign3A_318 : i1 to i32
      %sign3A_320 = arith.constant 0 : i32
      %sign3A_321 = arith.cmpi slt, %jit3A_308, %sign3A_320 : i32
      %sign3A_322 = arith.extui %sign3A_321 : i1 to i32
      %sign3A_323 = arith.subi %sign3A_319, %sign3A_322 : i32
      %ne3A_324 = arith.cmpi ne, %sign3A_316, %sign3A_323 : i32
      %rem3A_325 = arith.remsi %add3A_216, %jit3A_308 : i32
      %ne3A_326 = arith.constant 0 : i32
      %ne3A_327 = arith.cmpi ne, %rem3A_325, %ne3A_326 : i32
      %and3A_328 = arith.andi %ne3A_324, %ne3A_327 : i1
      %sub3A_329 = arith.constant 1 : i32
      %sub3A_330 = arith.subi %div3A_309, %sub3A_329 : i32
      %select_n3A_331 = arith.select %and3A_328, %sub3A_330, %div3A_309 : i32
      %jit3A_332 = arith.constant 8 : i32
      %eq3A_333 = arith.constant 0 : i32
      %eq3A_334 = arith.cmpi eq, %jit3A_332, %eq3A_333 : i32
      %jit3A_335 = arith.constant 1 : i32
      %select_n3A_336 = arith.select %eq3A_334, %jit3A_335, %jit3A_332 : i32
      %rem3A_337 = arith.remsi %add3A_216, %select_n3A_336 : i32
      %ne3A_338 = arith.constant 0 : i32
      %ne3A_339 = arith.cmpi ne, %rem3A_337, %ne3A_338 : i32
      %lt3A_340 = arith.constant 0 : i32
      %lt3A_341 = arith.cmpi slt, %rem3A_337, %lt3A_340 : i32
      %lt3A_342 = arith.constant 0 : i32
      %lt3A_343 = arith.cmpi slt, %select_n3A_336, %lt3A_342 : i32
      %ne3A_344 = arith.xori %lt3A_341, %lt3A_343 : i1
      %and3A_345 = arith.andi %ne3A_344, %ne3A_339 : i1
      %add3A_346 = arith.addi %rem3A_337, %select_n3A_336 : i32
      %select_n3A_347 = arith.select %and3A_345, %add3A_346, %rem3A_337 : i32
      %mul3A_348 = arith.constant 8192 : i32
      %mul3A_349 = arith.muli %add3A, %mul3A_348 : i32
      %mul3A_350 = arith.constant 1024 : i32
      %mul3A_351 = arith.muli %select_n3A_347, %mul3A_350 : i32
      %add3A_352 = arith.addi %mul3A_349, %mul3A_351 : i32
      %dma_start3A_353 = arith.constant 0 : i32
      %dma_start3A_354 = arith.constant 0 : i32
      %dma_start3A_355 = arith.constant 0 : i32
      %dma_start3A_356 = tpu.memref_slice %arg7[%dma_start3A_354, %dma_start3A_355] : memref<4x1024xf32, #tpu.memory_space<vmem>> -> memref<1x1024xf32, #tpu.memory_space<vmem>>
      %dma_start3A_357 = tpu.memref_squeeze %dma_start3A_356 : memref<1x1024xf32, #tpu.memory_space<vmem>> -> memref<1024xf32, #tpu.memory_space<vmem>>
      %dma_start3A_358 = tpu.memref_slice %arg2[%select_n3A_331, %dma_start3A_353, %add3A_352] : memref<8x2x262144xf32, #tpu.memory_space<hbm>> -> memref<1x1x1024xf32, #tpu.memory_space<hbm>>
      %dma_start3A_359 = tpu.memref_squeeze %dma_start3A_358 : memref<1x1x1024xf32, #tpu.memory_space<hbm>> -> memref<1024xf32, #tpu.memory_space<hbm>>
      %dma_start3A_360 = arith.constant 0 : i32
      %dma_start3A_361 = tpu.memref_slice %arg7[%dma_start3A_354, %dma_start3A_360] : memref<4x1024xf32, #tpu.memory_space<vmem>> -> memref<1x1024xf32, #tpu.memory_space<vmem>>
      %dma_start3A_362 = tpu.memref_squeeze %dma_start3A_361 : memref<1x1024xf32, #tpu.memory_space<vmem>> -> memref<1024xf32, #tpu.memory_space<vmem>>
      %dma_start3A_363 = tpu.memref_slice %arg2[%select_n3A_331, %dma_start3A_353, %add3A_352] : memref<8x2x262144xf32, #tpu.memory_space<hbm>> -> memref<1x1x1024xf32, #tpu.memory_space<hbm>>
      %dma_start3A_364 = tpu.memref_squeeze %dma_start3A_363 : memref<1x1x1024xf32, #tpu.memory_space<hbm>> -> memref<1024xf32, #tpu.memory_space<hbm>>
      tpu.enqueue_dma source(%dma_start3A_364 : memref<1024xf32, #tpu.memory_space<hbm>>) target(%dma_start3A_362 : memref<1024xf32, #tpu.memory_space<vmem>>) target_semaphore(%arg16 : memref<!tpu.dma_semaphore, #tpu.memory_space<semaphore_mem>>)
      %dma_start3A_365 = arith.constant 1 : i32
      %dma_start3A_366 = arith.constant 1 : i32
      %dma_start3A_367 = arith.constant 0 : i32
      %dma_start3A_368 = tpu.memref_slice %arg7[%dma_start3A_366, %dma_start3A_367] : memref<4x1024xf32, #tpu.memory_space<vmem>> -> memref<1x1024xf32, #tpu.memory_space<vmem>>
      %dma_start3A_369 = tpu.memref_squeeze %dma_start3A_368 : memref<1x1024xf32, #tpu.memory_space<vmem>> -> memref<1024xf32, #tpu.memory_space<vmem>>
      %dma_start3A_370 = tpu.memref_slice %arg2[%select_n3A_331, %dma_start3A_365, %add3A_352] : memref<8x2x262144xf32, #tpu.memory_space<hbm>> -> memref<1x1x1024xf32, #tpu.memory_space<hbm>>
      %dma_start3A_371 = tpu.memref_squeeze %dma_start3A_370 : memref<1x1x1024xf32, #tpu.memory_space<hbm>> -> memref<1024xf32, #tpu.memory_space<hbm>>
      %dma_start3A_372 = arith.constant 0 : i32
      %dma_start3A_373 = tpu.memref_slice %arg7[%dma_start3A_366, %dma_start3A_372] : memref<4x1024xf32, #tpu.memory_space<vmem>> -> memref<1x1024xf32, #tpu.memory_space<vmem>>
      %dma_start3A_374 = tpu.memref_squeeze %dma_start3A_373 : memref<1x1024xf32, #tpu.memory_space<vmem>> -> memref<1024xf32, #tpu.memory_space<vmem>>
      %dma_start3A_375 = tpu.memref_slice %arg2[%select_n3A_331, %dma_start3A_365, %add3A_352] : memref<8x2x262144xf32, #tpu.memory_space<hbm>> -> memref<1x1x1024xf32, #tpu.memory_space<hbm>>
      %dma_start3A_376 = tpu.memref_squeeze %dma_start3A_375 : memref<1x1x1024xf32, #tpu.memory_space<hbm>> -> memref<1024xf32, #tpu.memory_space<hbm>>
      tpu.enqueue_dma source(%dma_start3A_376 : memref<1024xf32, #tpu.memory_space<hbm>>) target(%dma_start3A_374 : memref<1024xf32, #tpu.memory_space<vmem>>) target_semaphore(%arg16 : memref<!tpu.dma_semaphore, #tpu.memory_space<semaphore_mem>>)
      %dma_start3A_377 = arith.constant 2 : i32
      %dma_start3A_378 = arith.constant 0 : i32
      %dma_start3A_379 = tpu.memref_slice %arg7[%dma_start3A_377, %dma_start3A_378] : memref<4x1024xf32, #tpu.memory_space<vmem>> -> memref<1x1024xf32, #tpu.memory_space<vmem>>
      %dma_start3A_380 = tpu.memref_squeeze %dma_start3A_379 : memref<1x1024xf32, #tpu.memory_space<vmem>> -> memref<1024xf32, #tpu.memory_space<vmem>>
      %dma_start3A_381 = tpu.memref_slice %arg3[%select_n3A_331, %add3A_352] : memref<8x262144xf32, #tpu.memory_space<hbm>> -> memref<1x1024xf32, #tpu.memory_space<hbm>>
      %dma_start3A_382 = tpu.memref_squeeze %dma_start3A_381 : memref<1x1024xf32, #tpu.memory_space<hbm>> -> memref<1024xf32, #tpu.memory_space<hbm>>
      %dma_start3A_383 = arith.constant 0 : i32
      %dma_start3A_384 = tpu.memref_slice %arg7[%dma_start3A_377, %dma_start3A_383] : memref<4x1024xf32, #tpu.memory_space<vmem>> -> memref<1x1024xf32, #tpu.memory_space<vmem>>
      %dma_start3A_385 = tpu.memref_squeeze %dma_start3A_384 : memref<1x1024xf32, #tpu.memory_space<vmem>> -> memref<1024xf32, #tpu.memory_space<vmem>>
      %dma_start3A_386 = tpu.memref_slice %arg3[%select_n3A_331, %add3A_352] : memref<8x262144xf32, #tpu.memory_space<hbm>> -> memref<1x1024xf32, #tpu.memory_space<hbm>>
      %dma_start3A_387 = tpu.memref_squeeze %dma_start3A_386 : memref<1x1024xf32, #tpu.memory_space<hbm>> -> memref<1024xf32, #tpu.memory_space<hbm>>
      tpu.enqueue_dma source(%dma_start3A_387 : memref<1024xf32, #tpu.memory_space<hbm>>) target(%dma_start3A_385 : memref<1024xf32, #tpu.memory_space<vmem>>) target_semaphore(%arg16 : memref<!tpu.dma_semaphore, #tpu.memory_space<semaphore_mem>>)
      %dma_start3A_388 = arith.constant 3 : i32
      %dma_start3A_389 = arith.constant 0 : i32
      %dma_start3A_390 = tpu.memref_slice %arg7[%dma_start3A_388, %dma_start3A_389] : memref<4x1024xf32, #tpu.memory_space<vmem>> -> memref<1x1024xf32, #tpu.memory_space<vmem>>
      %dma_start3A_391 = tpu.memref_squeeze %dma_start3A_390 : memref<1x1024xf32, #tpu.memory_space<vmem>> -> memref<1024xf32, #tpu.memory_space<vmem>>
      %dma_start3A_392 = tpu.memref_slice %arg4[%select_n3A_331, %add3A_352] : memref<8x262144xf32, #tpu.memory_space<hbm>> -> memref<1x1024xf32, #tpu.memory_space<hbm>>
      %dma_start3A_393 = tpu.memref_squeeze %dma_start3A_392 : memref<1x1024xf32, #tpu.memory_space<hbm>> -> memref<1024xf32, #tpu.memory_space<hbm>>
      %dma_start3A_394 = arith.constant 0 : i32
      %dma_start3A_395 = tpu.memref_slice %arg7[%dma_start3A_388, %dma_start3A_394] : memref<4x1024xf32, #tpu.memory_space<vmem>> -> memref<1x1024xf32, #tpu.memory_space<vmem>>
      %dma_start3A_396 = tpu.memref_squeeze %dma_start3A_395 : memref<1x1024xf32, #tpu.memory_space<vmem>> -> memref<1024xf32, #tpu.memory_space<vmem>>
      %dma_start3A_397 = tpu.memref_slice %arg4[%select_n3A_331, %add3A_352] : memref<8x262144xf32, #tpu.memory_space<hbm>> -> memref<1x1024xf32, #tpu.memory_space<hbm>>
      %dma_start3A_398 = tpu.memref_squeeze %dma_start3A_397 : memref<1x1024xf32, #tpu.memory_space<hbm>> -> memref<1024xf32, #tpu.memory_space<hbm>>
      tpu.enqueue_dma source(%dma_start3A_398 : memref<1024xf32, #tpu.memory_space<hbm>>) target(%dma_start3A_396 : memref<1024xf32, #tpu.memory_space<vmem>>) target_semaphore(%arg16 : memref<!tpu.dma_semaphore, #tpu.memory_space<semaphore_mem>>)
      %scan3A_399 = arith.constant 0 : i32
      %scan3A_400 = arith.constant 0 : i32
      %scan3A_401 = arith.constant 64 : i32
      %scan3A_402 = arith.addi %scan3A_400, %scan3A_401 : i32
      %scan3A_403 = arith.constant 1 : i32
      %scan3A_404 = scf.for %scan3A_606 = %scan3A_400 to %scan3A_402 step %scan3A_403 iter_args(%scan3A_607 = %scan3A_399) -> (i32)  : i32 {
        %mul3A_608 = arith.constant 16 : i32
        %mul3A_609 = arith.muli %scan3A_606, %mul3A_608 : i32
        %get3A = arith.constant 0 : i32
        %get3A_610 = arith.index_cast %get3A : i32 to index
        %get3A_611 = arith.index_cast %mul3A_609 : i32 to index
        %get3A_612 = tpu.vector_load %arg6[%get3A_610, %get3A_611] {strides = array<i32>} : memref<4x1024xf32, #tpu.memory_space<vmem>>, vector<1x16xf32>,
        %get3A_613 = vector.shape_cast %get3A_612 : vector<1x16xf32> to vector<16xf32>
        %get3A_614 = arith.constant 1 : i32
        %get3A_615 = arith.index_cast %get3A_614 : i32 to index
        %get3A_616 = arith.index_cast %mul3A_609 : i32 to index
        %get3A_617 = tpu.vector_load %arg6[%get3A_615, %get3A_616] {strides = array<i32>} : memref<4x1024xf32, #tpu.memory_space<vmem>>, vector<1x16xf32>,
        %get3A_618 = vector.shape_cast %get3A_617 : vector<1x16xf32> to vector<16xf32>
        %get3A_619 = arith.constant 2 : i32
        %get3A_620 = arith.index_cast %get3A_619 : i32 to index
        %get3A_621 = arith.index_cast %mul3A_609 : i32 to index
        %get3A_622 = tpu.vector_load %arg6[%get3A_620, %get3A_621] {strides = array<i32>} : memref<4x1024xf32, #tpu.memory_space<vmem>>, vector<1x16xf32>,
        %get3A_623 = vector.shape_cast %get3A_622 : vector<1x16xf32> to vector<16xf32>
        %get3A_624 = arith.constant 3 : i32
        %get3A_625 = arith.index_cast %get3A_624 : i32 to index
        %get3A_626 = arith.index_cast %mul3A_609 : i32 to index
        %get3A_627 = tpu.vector_load %arg6[%get3A_625, %get3A_626] {strides = array<i32>} : memref<4x1024xf32, #tpu.memory_space<vmem>>, vector<1x16xf32>,
        %get3A_628 = vector.shape_cast %get3A_627 : vector<1x16xf32> to vector<16xf32>
        %mul3A_629 = vector.broadcast %scan3A_96 : f32 to vector<16xf32>
        %mul3A_630 = arith.mulf %get3A_613, %mul3A_629 : vector<16xf32>
        %add3A_631 = vector.broadcast %scan3A_97 : f32 to vector<16xf32>
        %add3A_632 = arith.addf %mul3A_630, %add3A_631 : vector<16xf32>
        %mul3A_633 = vector.broadcast %scan3A_96 : f32 to vector<16xf32>
        %mul3A_634 = arith.mulf %get3A_618, %mul3A_633 : vector<16xf32>
        %add3A_635 = vector.broadcast %scan3A_97 : f32 to vector<16xf32>
        %add3A_636 = arith.addf %mul3A_634, %add3A_635 : vector<16xf32>
        %mul3A_637 = vector.broadcast %scan3A_98 : f32 to vector<16xf32>
        %mul3A_638 = arith.mulf %get3A_623, %mul3A_637 : vector<16xf32>
        %add3A_639 = vector.broadcast %scan3A_99 : f32 to vector<16xf32>
        %add3A_640 = arith.addf %mul3A_638, %add3A_639 : vector<16xf32>
        %convert_element_type3A_641 = arith.fptosi %add3A_632 : vector<16xf32> to vector<16xi32>
        %convert_element_type3A_642 = arith.fptosi %add3A_636 : vector<16xf32> to vector<16xi32>
        %convert_element_type3A_643 = arith.fptosi %add3A_640 : vector<16xf32> to vector<16xi32>
        %convert_element_type3A_644 = arith.sitofp %convert_element_type3A_641 : vector<16xi32> to vector<16xf32>
        %sub3A_645 = arith.subf %add3A_632, %convert_element_type3A_644 : vector<16xf32>
        %convert_element_type3A_646 = arith.sitofp %convert_element_type3A_642 : vector<16xi32> to vector<16xf32>
        %sub3A_647 = arith.subf %add3A_636, %convert_element_type3A_646 : vector<16xf32>
        %convert_element_type3A_648 = arith.sitofp %convert_element_type3A_643 : vector<16xi32> to vector<16xf32>
        %sub3A_649 = arith.subf %add3A_640, %convert_element_type3A_648 : vector<16xf32>
        %ge3A = arith.constant 0.000000e+00 : f32
        %ge3A_650 = vector.broadcast %ge3A : f32 to vector<16xf32>
        %ge3A_651 = arith.cmpf oge, %add3A_632, %ge3A_650 : vector<16xf32>
        %lt3A_652 = arith.constant 5.110000e+02 : f32
        %lt3A_653 = vector.broadcast %lt3A_652 : f32 to vector<16xf32>
        %lt3A_654 = arith.cmpf olt, %add3A_632, %lt3A_653 : vector<16xf32>
        %and3A_655 = arith.andi %ge3A_651, %lt3A_654 : vector<16xi1>
        %ge3A_656 = arith.constant 0.000000e+00 : f32
        %ge3A_657 = vector.broadcast %ge3A_656 : f32 to vector<16xf32>
        %ge3A_658 = arith.cmpf oge, %add3A_636, %ge3A_657 : vector<16xf32>
        %and3A_659 = arith.andi %and3A_655, %ge3A_658 : vector<16xi1>
        %lt3A_660 = arith.constant 5.110000e+02 : f32
        %lt3A_661 = vector.broadcast %lt3A_660 : f32 to vector<16xf32>
        %lt3A_662 = arith.cmpf olt, %add3A_636, %lt3A_661 : vector<16xf32>
        %and3A_663 = arith.andi %and3A_659, %lt3A_662 : vector<16xi1>
        %ge3A_664 = arith.constant 0.000000e+00 : f32
        %ge3A_665 = vector.broadcast %ge3A_664 : f32 to vector<16xf32>
        %ge3A_666 = arith.cmpf oge, %add3A_640, %ge3A_665 : vector<16xf32>
        %and3A_667 = arith.andi %and3A_663, %ge3A_666 : vector<16xi1>
        %lt3A_668 = arith.constant 6.300000e+01 : f32
        %lt3A_669 = vector.broadcast %lt3A_668 : f32 to vector<16xf32>
        %lt3A_670 = arith.cmpf olt, %add3A_640, %lt3A_669 : vector<16xf32>
        %and3A_671 = arith.andi %and3A_667, %lt3A_670 : vector<16xi1>
        %jit3A_672 = arith.constant 0.000000e+00 : f32
        %broadcast_in_dim3A = vector.broadcast %jit3A_672 : f32 to vector<16xf32>
        %select_n3A_673 = arith.select %and3A_671, %get3A_628, %broadcast_in_dim3A : vector<16xi1>, vector<16xf32>
        %mul3A_674 = vector.broadcast %scan3A_100 : f32 to vector<16xf32>
        %mul3A_675 = arith.mulf %select_n3A_673, %mul3A_674 : vector<16xf32>
        %jit3A_676 = arith.constant 0 : i32
        %jit3A_677 = arith.constant 510 : i32
        %max3A = vector.broadcast %jit3A_676 : i32 to vector<16xi32>
        %max3A_678 = arith.maxsi %max3A, %convert_element_type3A_641 : vector<16xi32>
        %min3A_679 = vector.broadcast %jit3A_677 : i32 to vector<16xi32>
        %min3A_680 = arith.minsi %min3A_679, %max3A_678 : vector<16xi32>
        %jit3A_681 = arith.constant 0 : i32
        %jit3A_682 = arith.constant 510 : i32
        %max3A_683 = vector.broadcast %jit3A_681 : i32 to vector<16xi32>
        %max3A_684 = arith.maxsi %max3A_683, %convert_element_type3A_642 : vector<16xi32>
        %min3A_685 = vector.broadcast %jit3A_682 : i32 to vector<16xi32>
        %min3A_686 = arith.minsi %min3A_685, %max3A_684 : vector<16xi32>
        %jit3A_687 = arith.constant 0 : i32
        %jit3A_688 = arith.constant 62 : i32
        %max3A_689 = vector.broadcast %jit3A_687 : i32 to vector<16xi32>
        %max3A_690 = arith.maxsi %max3A_689, %convert_element_type3A_643 : vector<16xi32>
        %min3A_691 = vector.broadcast %jit3A_688 : i32 to vector<16xi32>
        %min3A_692 = arith.minsi %min3A_691, %max3A_690 : vector<16xi32>
        %shift_right_arithmetic3A = arith.constant 2 : i32
        %shift_right_arithmetic3A_693 = vector.broadcast %shift_right_arithmetic3A : i32 to vector<16xi32>
        %shift_right_arithmetic3A_694 = arith.shrsi %min3A_680, %shift_right_arithmetic3A_693 : vector<16xi32>
        %add3A_695 = arith.constant 1 : i32
        %add3A_696 = vector.broadcast %add3A_695 : i32 to vector<16xi32>
        %add3A_697 = arith.addi %min3A_680, %add3A_696 : vector<16xi32>
        %shift_right_arithmetic3A_698 = arith.constant 2 : i32
        %shift_right_arithmetic3A_699 = vector.broadcast %shift_right_arithmetic3A_698 : i32 to vector<16xi32>
        %shift_right_arithmetic3A_700 = arith.shrsi %add3A_697, %shift_right_arithmetic3A_699 : vector<16xi32>
        %shift_right_arithmetic3A_701 = arith.constant 2 : i32
        %shift_right_arithmetic3A_702 = vector.broadcast %shift_right_arithmetic3A_701 : i32 to vector<16xi32>
        %shift_right_arithmetic3A_703 = arith.shrsi %min3A_686, %shift_right_arithmetic3A_702 : vector<16xi32>
        %add3A_704 = arith.constant 1 : i32
        %add3A_705 = vector.broadcast %add3A_704 : i32 to vector<16xi32>
        %add3A_706 = arith.addi %min3A_686, %add3A_705 : vector<16xi32>
        %shift_right_arithmetic3A_707 = arith.constant 2 : i32
        %shift_right_arithmetic3A_708 = vector.broadcast %shift_right_arithmetic3A_707 : i32 to vector<16xi32>
        %shift_right_arithmetic3A_709 = arith.shrsi %add3A_706, %shift_right_arithmetic3A_708 : vector<16xi32>
        %mul3A_710 = arith.constant 16384 : i32
        %mul3A_711 = vector.broadcast %mul3A_710 : i32 to vector<16xi32>
        %mul3A_712 = arith.muli %min3A_692, %mul3A_711 : vector<16xi32>
        %add3A_713 = arith.constant 16384 : i32
        %add3A_714 = vector.broadcast %add3A_713 : i32 to vector<16xi32>
        %add3A_715 = arith.addi %mul3A_712, %add3A_714 : vector<16xi32>
        %mul3A_716 = arith.constant 128 : i32
        %mul3A_717 = vector.broadcast %mul3A_716 : i32 to vector<16xi32>
        %mul3A_718 = arith.muli %shift_right_arithmetic3A_703, %mul3A_717 : vector<16xi32>
        %mul3A_719 = arith.constant 128 : i32
        %mul3A_720 = vector.broadcast %mul3A_719 : i32 to vector<16xi32>
        %mul3A_721 = arith.muli %shift_right_arithmetic3A_709, %mul3A_720 : vector<16xi32>
        %add3A_722 = arith.addi %mul3A_712, %mul3A_718 : vector<16xi32>
        %add3A_723 = arith.addi %mul3A_712, %mul3A_721 : vector<16xi32>
        %add3A_724 = arith.addi %add3A_715, %mul3A_718 : vector<16xi32>
        %add3A_725 = arith.addi %add3A_715, %mul3A_721 : vector<16xi32>
        %mul3A_726 = arith.mulf %mul3A_675, %sub3A_649 : vector<16xf32>
        %mul3A_727 = arith.mulf %mul3A_726, %sub3A_647 : vector<16xf32>
        %sub3A_728 = arith.subf %mul3A_675, %mul3A_726 : vector<16xf32>
        %mul3A_729 = arith.mulf %sub3A_728, %sub3A_647 : vector<16xf32>
        %sub3A_730 = arith.subf %sub3A_728, %mul3A_729 : vector<16xf32>
        %mul3A_731 = arith.mulf %sub3A_730, %sub3A_645 : vector<16xf32>
        %sub3A_732 = arith.subf %sub3A_730, %mul3A_731 : vector<16xf32>
        %mul3A_733 = arith.mulf %mul3A_727, %sub3A_645 : vector<16xf32>
        %sub3A_734 = arith.subf %mul3A_727, %mul3A_733 : vector<16xf32>
        %mul3A_735 = arith.constant 128 : i32
        %mul3A_736 = arith.muli %scan3A_606, %mul3A_735 : i32
        %add3A_737 = arith.addi %add3A_722, %shift_right_arithmetic3A_694 : vector<16xi32>
        %add3A_738 = arith.constant 0 : i32
        %add3A_739 = arith.addi %mul3A_736, %add3A_738 : i32
        %swap3A = arith.index_cast %add3A_739 : i32 to index
        %swap3A_740 = tpu.vector_load %arg8[%swap3A] {strides = array<i32>} : memref<8192xi32, #tpu.memory_space<vmem>>, vector<16xi32>,
        %swap3A_741 = vector.shape_cast %swap3A_740 : vector<16xi32> to vector<16xi32>
        %swap3A_742 = vector.shape_cast %add3A_737 : vector<16xi32> to vector<16xi32>
        tpu.vector_store %arg8[%swap3A], %swap3A_742 {strides = array<i32>} : memref<8192xi32, #tpu.memory_space<vmem>>, vector<16xi32>,
        %add3A_743 = arith.constant 0 : i32
        %add3A_744 = arith.addi %mul3A_736, %add3A_743 : i32
        %swap3A_745 = arith.index_cast %add3A_744 : i32 to index
        %swap3A_746 = tpu.vector_load %arg9[%swap3A_745] {strides = array<i32>} : memref<8192xf32, #tpu.memory_space<vmem>>, vector<16xf32>,
        %swap3A_747 = vector.shape_cast %swap3A_746 : vector<16xf32> to vector<16xf32>
        %swap3A_748 = vector.shape_cast %sub3A_732 : vector<16xf32> to vector<16xf32>
        tpu.vector_store %arg9[%swap3A_745], %swap3A_748 {strides = array<i32>} : memref<8192xf32, #tpu.memory_space<vmem>>, vector<16xf32>,
        %add3A_749 = arith.addi %add3A_722, %shift_right_arithmetic3A_700 : vector<16xi32>
        %add3A_750 = arith.constant 16 : i32
        %add3A_751 = arith.addi %mul3A_736, %add3A_750 : i32
        %swap3A_752 = arith.index_cast %add3A_751 : i32 to index
        %swap3A_753 = tpu.vector_load %arg8[%swap3A_752] {strides = array<i32>} : memref<8192xi32, #tpu.memory_space<vmem>>, vector<16xi32>,
        %swap3A_754 = vector.shape_cast %swap3A_753 : vector<16xi32> to vector<16xi32>
        %swap3A_755 = vector.shape_cast %add3A_749 : vector<16xi32> to vector<16xi32>
        tpu.vector_store %arg8[%swap3A_752], %swap3A_755 {strides = array<i32>} : memref<8192xi32, #tpu.memory_space<vmem>>, vector<16xi32>,
        %add3A_756 = arith.constant 16 : i32
        %add3A_757 = arith.addi %mul3A_736, %add3A_756 : i32
        %swap3A_758 = arith.index_cast %add3A_757 : i32 to index
        %swap3A_759 = tpu.vector_load %arg9[%swap3A_758] {strides = array<i32>} : memref<8192xf32, #tpu.memory_space<vmem>>, vector<16xf32>,
        %swap3A_760 = vector.shape_cast %swap3A_759 : vector<16xf32> to vector<16xf32>
        %swap3A_761 = vector.shape_cast %mul3A_731 : vector<16xf32> to vector<16xf32>
        tpu.vector_store %arg9[%swap3A_758], %swap3A_761 {strides = array<i32>} : memref<8192xf32, #tpu.memory_space<vmem>>, vector<16xf32>,
        %add3A_762 = arith.addi %add3A_723, %shift_right_arithmetic3A_694 : vector<16xi32>
        %add3A_763 = arith.constant 32 : i32
        %add3A_764 = arith.addi %mul3A_736, %add3A_763 : i32
        %swap3A_765 = arith.index_cast %add3A_764 : i32 to index
        %swap3A_766 = tpu.vector_load %arg8[%swap3A_765] {strides = array<i32>} : memref<8192xi32, #tpu.memory_space<vmem>>, vector<16xi32>,
        %swap3A_767 = vector.shape_cast %swap3A_766 : vector<16xi32> to vector<16xi32>
        %swap3A_768 = vector.shape_cast %add3A_762 : vector<16xi32> to vector<16xi32>
        tpu.vector_store %arg8[%swap3A_765], %swap3A_768 {strides = array<i32>} : memref<8192xi32, #tpu.memory_space<vmem>>, vector<16xi32>,
        %add3A_769 = arith.constant 32 : i32
        %add3A_770 = arith.addi %mul3A_736, %add3A_769 : i32
        %swap3A_771 = arith.index_cast %add3A_770 : i32 to index
        %swap3A_772 = tpu.vector_load %arg9[%swap3A_771] {strides = array<i32>} : memref<8192xf32, #tpu.memory_space<vmem>>, vector<16xf32>,
        %swap3A_773 = vector.shape_cast %swap3A_772 : vector<16xf32> to vector<16xf32>
        %swap3A_774 = vector.shape_cast %sub3A_732 : vector<16xf32> to vector<16xf32>
        tpu.vector_store %arg9[%swap3A_771], %swap3A_774 {strides = array<i32>} : memref<8192xf32, #tpu.memory_space<vmem>>, vector<16xf32>,
        %add3A_775 = arith.addi %add3A_723, %shift_right_arithmetic3A_700 : vector<16xi32>
        %add3A_776 = arith.constant 48 : i32
        %add3A_777 = arith.addi %mul3A_736, %add3A_776 : i32
        %swap3A_778 = arith.index_cast %add3A_777 : i32 to index
        %swap3A_779 = tpu.vector_load %arg8[%swap3A_778] {strides = array<i32>} : memref<8192xi32, #tpu.memory_space<vmem>>, vector<16xi32>,
        %swap3A_780 = vector.shape_cast %swap3A_779 : vector<16xi32> to vector<16xi32>
        %swap3A_781 = vector.shape_cast %add3A_775 : vector<16xi32> to vector<16xi32>
        tpu.vector_store %arg8[%swap3A_778], %swap3A_781 {strides = array<i32>} : memref<8192xi32, #tpu.memory_space<vmem>>, vector<16xi32>,
        %add3A_782 = arith.constant 48 : i32
        %add3A_783 = arith.addi %mul3A_736, %add3A_782 : i32
        %swap3A_784 = arith.index_cast %add3A_783 : i32 to index
        %swap3A_785 = tpu.vector_load %arg9[%swap3A_784] {strides = array<i32>} : memref<8192xf32, #tpu.memory_space<vmem>>, vector<16xf32>,
        %swap3A_786 = vector.shape_cast %swap3A_785 : vector<16xf32> to vector<16xf32>
        %swap3A_787 = vector.shape_cast %mul3A_731 : vector<16xf32> to vector<16xf32>
        tpu.vector_store %arg9[%swap3A_784], %swap3A_787 {strides = array<i32>} : memref<8192xf32, #tpu.memory_space<vmem>>, vector<16xf32>,
        %add3A_788 = arith.addi %add3A_724, %shift_right_arithmetic3A_694 : vector<16xi32>
        %add3A_789 = arith.constant 64 : i32
        %add3A_790 = arith.addi %mul3A_736, %add3A_789 : i32
        %swap3A_791 = arith.index_cast %add3A_790 : i32 to index
        %swap3A_792 = tpu.vector_load %arg8[%swap3A_791] {strides = array<i32>} : memref<8192xi32, #tpu.memory_space<vmem>>, vector<16xi32>,
        %swap3A_793 = vector.shape_cast %swap3A_792 : vector<16xi32> to vector<16xi32>
        %swap3A_794 = vector.shape_cast %add3A_788 : vector<16xi32> to vector<16xi32>
        tpu.vector_store %arg8[%swap3A_791], %swap3A_794 {strides = array<i32>} : memref<8192xi32, #tpu.memory_space<vmem>>, vector<16xi32>,
        %add3A_795 = arith.constant 64 : i32
        %add3A_796 = arith.addi %mul3A_736, %add3A_795 : i32
        %swap3A_797 = arith.index_cast %add3A_796 : i32 to index
        %swap3A_798 = tpu.vector_load %arg9[%swap3A_797] {strides = array<i32>} : memref<8192xf32, #tpu.memory_space<vmem>>, vector<16xf32>,
        %swap3A_799 = vector.shape_cast %swap3A_798 : vector<16xf32> to vector<16xf32>
        %swap3A_800 = vector.shape_cast %sub3A_734 : vector<16xf32> to vector<16xf32>
        tpu.vector_store %arg9[%swap3A_797], %swap3A_800 {strides = array<i32>} : memref<8192xf32, #tpu.memory_space<vmem>>, vector<16xf32>,
        %add3A_801 = arith.addi %add3A_724, %shift_right_arithmetic3A_700 : vector<16xi32>
        %add3A_802 = arith.constant 80 : i32
        %add3A_803 = arith.addi %mul3A_736, %add3A_802 : i32
        %swap3A_804 = arith.index_cast %add3A_803 : i32 to index
        %swap3A_805 = tpu.vector_load %arg8[%swap3A_804] {strides = array<i32>} : memref<8192xi32, #tpu.memory_space<vmem>>, vector<16xi32>,
        %swap3A_806 = vector.shape_cast %swap3A_805 : vector<16xi32> to vector<16xi32>
        %swap3A_807 = vector.shape_cast %add3A_801 : vector<16xi32> to vector<16xi32>
        tpu.vector_store %arg8[%swap3A_804], %swap3A_807 {strides = array<i32>} : memref<8192xi32, #tpu.memory_space<vmem>>, vector<16xi32>,
        %add3A_808 = arith.constant 80 : i32
        %add3A_809 = arith.addi %mul3A_736, %add3A_808 : i32
        %swap3A_810 = arith.index_cast %add3A_809 : i32 to index
        %swap3A_811 = tpu.vector_load %arg9[%swap3A_810] {strides = array<i32>} : memref<8192xf32, #tpu.memory_space<vmem>>, vector<16xf32>,
        %swap3A_812 = vector.shape_cast %swap3A_811 : vector<16xf32> to vector<16xf32>
        %swap3A_813 = vector.shape_cast %mul3A_733 : vector<16xf32> to vector<16xf32>
        tpu.vector_store %arg9[%swap3A_810], %swap3A_813 {strides = array<i32>} : memref<8192xf32, #tpu.memory_space<vmem>>, vector<16xf32>,
        %add3A_814 = arith.addi %add3A_725, %shift_right_arithmetic3A_694 : vector<16xi32>
        %add3A_815 = arith.constant 96 : i32
        %add3A_816 = arith.addi %mul3A_736, %add3A_815 : i32
        %swap3A_817 = arith.index_cast %add3A_816 : i32 to index
        %swap3A_818 = tpu.vector_load %arg8[%swap3A_817] {strides = array<i32>} : memref<8192xi32, #tpu.memory_space<vmem>>, vector<16xi32>,
        %swap3A_819 = vector.shape_cast %swap3A_818 : vector<16xi32> to vector<16xi32>
        %swap3A_820 = vector.shape_cast %add3A_814 : vector<16xi32> to vector<16xi32>
        tpu.vector_store %arg8[%swap3A_817], %swap3A_820 {strides = array<i32>} : memref<8192xi32, #tpu.memory_space<vmem>>, vector<16xi32>,
        %add3A_821 = arith.constant 96 : i32
        %add3A_822 = arith.addi %mul3A_736, %add3A_821 : i32
        %swap3A_823 = arith.index_cast %add3A_822 : i32 to index
        %swap3A_824 = tpu.vector_load %arg9[%swap3A_823] {strides = array<i32>} : memref<8192xf32, #tpu.memory_space<vmem>>, vector<16xf32>,
        %swap3A_825 = vector.shape_cast %swap3A_824 : vector<16xf32> to vector<16xf32>
        %swap3A_826 = vector.shape_cast %sub3A_734 : vector<16xf32> to vector<16xf32>
        tpu.vector_store %arg9[%swap3A_823], %swap3A_826 {strides = array<i32>} : memref<8192xf32, #tpu.memory_space<vmem>>, vector<16xf32>,
        %add3A_827 = arith.addi %add3A_725, %shift_right_arithmetic3A_700 : vector<16xi32>
        %add3A_828 = arith.constant 112 : i32
        %add3A_829 = arith.addi %mul3A_736, %add3A_828 : i32
        %swap3A_830 = arith.index_cast %add3A_829 : i32 to index
        %swap3A_831 = tpu.vector_load %arg8[%swap3A_830] {strides = array<i32>} : memref<8192xi32, #tpu.memory_space<vmem>>, vector<16xi32>,
        %swap3A_832 = vector.shape_cast %swap3A_831 : vector<16xi32> to vector<16xi32>
        %swap3A_833 = vector.shape_cast %add3A_827 : vector<16xi32> to vector<16xi32>
        tpu.vector_store %arg8[%swap3A_830], %swap3A_833 {strides = array<i32>} : memref<8192xi32, #tpu.memory_space<vmem>>, vector<16xi32>,
        %add3A_834 = arith.constant 112 : i32
        %add3A_835 = arith.addi %mul3A_736, %add3A_834 : i32
        %swap3A_836 = arith.index_cast %add3A_835 : i32 to index
        %swap3A_837 = tpu.vector_load %arg9[%swap3A_836] {strides = array<i32>} : memref<8192xf32, #tpu.memory_space<vmem>>, vector<16xf32>,
        %swap3A_838 = vector.shape_cast %swap3A_837 : vector<16xf32> to vector<16xf32>
        %swap3A_839 = vector.shape_cast %mul3A_733 : vector<16xf32> to vector<16xf32>
        tpu.vector_store %arg9[%swap3A_836], %swap3A_839 {strides = array<i32>} : memref<8192xf32, #tpu.memory_space<vmem>>, vector<16xf32>,
        %scan3A_840 = arith.constant 0 : i32
        scf.yield %scan3A_840 : i32
      }
      %scan3A_405 = arith.constant 64 : i32
      %gt3A = arith.constant 0 : i32
      %gt3A_406 = arith.cmpi sgt, %scan3A_211, %gt3A : i32
      %convert_element_type3A = arith.extui %gt3A_406 : i1 to i32
      %cond3A = arith.constant 0 : i32
      %cond3A_407 = arith.cmpi ne, %convert_element_type3A, %cond3A : i32
      scf.if %cond3A_407 {
        %dma_wait3A_606 = arith.constant 0 : i32
        %dma_wait3A_607 = tpu.memref_slice %arg12[%dma_wait3A_606] : memref<1048576xf32, #tpu.memory_space<vmem_shared>> -> memref<1048576xf32, #tpu.memory_space<vmem_shared>>
        tpu.wait_indirect_dma semaphore(%arg14 : memref<!tpu.dma_semaphore, #tpu.memory_space<semaphore_mem>>) src(%arg11 : memref<8192xf32, #tpu.memory_space<vmem>>) dst(%dma_wait3A_607 : memref<1048576xf32, #tpu.memory_space<vmem_shared>>)
      } else {
      }
      %dma_start3A_408 = arith.constant 0 : i32
      %dma_start3A_409 = tpu.memref_slice %arg12[%dma_start3A_408] : memref<1048576xf32, #tpu.memory_space<vmem_shared>> -> memref<1048576xf32, #tpu.memory_space<vmem_shared>>
      tpu.enqueue_indirect_dma source(%arg9 : memref<8192xf32, #tpu.memory_space<vmem>>) target(%dma_start3A_409 : memref<1048576xf32, #tpu.memory_space<vmem_shared>>) offsets(%arg8 : memref<8192xi32, #tpu.memory_space<vmem>>) semaphore(%arg13 : memref<!tpu.dma_semaphore, #tpu.memory_space<semaphore_mem>>) {add = true}
      %jit3A_410 = arith.constant 8 : i32
      %div3A_411 = arith.divsi %add3A_216, %jit3A_410 : i32
      %sign3A_412 = arith.constant 0 : i32
      %sign3A_413 = arith.cmpi sgt, %add3A_216, %sign3A_412 : i32
      %sign3A_414 = arith.extui %sign3A_413 : i1 to i32
      %sign3A_415 = arith.constant 0 : i32
      %sign3A_416 = arith.cmpi slt, %add3A_216, %sign3A_415 : i32
      %sign3A_417 = arith.extui %sign3A_416 : i1 to i32
      %sign3A_418 = arith.subi %sign3A_414, %sign3A_417 : i32
      %sign3A_419 = arith.constant 0 : i32
      %sign3A_420 = arith.cmpi sgt, %jit3A_410, %sign3A_419 : i32
      %sign3A_421 = arith.extui %sign3A_420 : i1 to i32
      %sign3A_422 = arith.constant 0 : i32
      %sign3A_423 = arith.cmpi slt, %jit3A_410, %sign3A_422 : i32
      %sign3A_424 = arith.extui %sign3A_423 : i1 to i32
      %sign3A_425 = arith.subi %sign3A_421, %sign3A_424 : i32
      %ne3A_426 = arith.cmpi ne, %sign3A_418, %sign3A_425 : i32
      %rem3A_427 = arith.remsi %add3A_216, %jit3A_410 : i32
      %ne3A_428 = arith.constant 0 : i32
      %ne3A_429 = arith.cmpi ne, %rem3A_427, %ne3A_428 : i32
      %and3A_430 = arith.andi %ne3A_426, %ne3A_429 : i1
      %sub3A_431 = arith.constant 1 : i32
      %sub3A_432 = arith.subi %div3A_411, %sub3A_431 : i32
      %select_n3A_433 = arith.select %and3A_430, %sub3A_432, %div3A_411 : i32
      %jit3A_434 = arith.constant 8 : i32
      %eq3A_435 = arith.constant 0 : i32
      %eq3A_436 = arith.cmpi eq, %jit3A_434, %eq3A_435 : i32
      %jit3A_437 = arith.constant 1 : i32
      %select_n3A_438 = arith.select %eq3A_436, %jit3A_437, %jit3A_434 : i32
      %rem3A_439 = arith.remsi %add3A_216, %select_n3A_438 : i32
      %ne3A_440 = arith.constant 0 : i32
      %ne3A_441 = arith.cmpi ne, %rem3A_439, %ne3A_440 : i32
      %lt3A_442 = arith.constant 0 : i32
      %lt3A_443 = arith.cmpi slt, %rem3A_439, %lt3A_442 : i32
      %lt3A_444 = arith.constant 0 : i32
      %lt3A_445 = arith.cmpi slt, %select_n3A_438, %lt3A_444 : i32
      %ne3A_446 = arith.xori %lt3A_443, %lt3A_445 : i1
      %and3A_447 = arith.andi %ne3A_446, %ne3A_441 : i1
      %add3A_448 = arith.addi %rem3A_439, %select_n3A_438 : i32
      %select_n3A_449 = arith.select %and3A_447, %add3A_448, %rem3A_439 : i32
      %mul3A_450 = arith.constant 8192 : i32
      %mul3A_451 = arith.muli %add3A, %mul3A_450 : i32
      %mul3A_452 = arith.constant 1024 : i32
      %mul3A_453 = arith.muli %select_n3A_449, %mul3A_452 : i32
      %add3A_454 = arith.addi %mul3A_451, %mul3A_453 : i32
      %dma_wait3A_455 = arith.constant 0 : i32
      %dma_wait3A_456 = arith.constant 0 : i32
      %dma_wait3A_457 = arith.constant 0 : i32
      %dma_wait3A_458 = tpu.memref_slice %arg7[%dma_wait3A_456, %dma_wait3A_457] : memref<4x1024xf32, #tpu.memory_space<vmem>> -> memref<1x1024xf32, #tpu.memory_space<vmem>>
      %dma_wait3A_459 = tpu.memref_squeeze %dma_wait3A_458 : memref<1x1024xf32, #tpu.memory_space<vmem>> -> memref<1024xf32, #tpu.memory_space<vmem>>
      %dma_wait3A_460 = tpu.memref_slice %arg2[%select_n3A_433, %dma_wait3A_455, %add3A_454] : memref<8x2x262144xf32, #tpu.memory_space<hbm>> -> memref<1x1x1024xf32, #tpu.memory_space<hbm>>
      %dma_wait3A_461 = tpu.memref_squeeze %dma_wait3A_460 : memref<1x1x1024xf32, #tpu.memory_space<hbm>> -> memref<1024xf32, #tpu.memory_space<hbm>>
      %dma_wait3A_462 = arith.constant 0 : i32
      %dma_wait3A_463 = tpu.memref_slice %arg7[%dma_wait3A_456, %dma_wait3A_462] : memref<4x1024xf32, #tpu.memory_space<vmem>> -> memref<1x1024xf32, #tpu.memory_space<vmem>>
      %dma_wait3A_464 = tpu.memref_squeeze %dma_wait3A_463 : memref<1x1024xf32, #tpu.memory_space<vmem>> -> memref<1024xf32, #tpu.memory_space<vmem>>
      %dma_wait3A_465 = tpu.memref_slice %arg2[%select_n3A_433, %dma_wait3A_455, %add3A_454] : memref<8x2x262144xf32, #tpu.memory_space<hbm>> -> memref<1x1x1024xf32, #tpu.memory_space<hbm>>
      %dma_wait3A_466 = tpu.memref_squeeze %dma_wait3A_465 : memref<1x1x1024xf32, #tpu.memory_space<hbm>> -> memref<1024xf32, #tpu.memory_space<hbm>>
      tpu.wait_dma2 semaphore(%arg16 : memref<!tpu.dma_semaphore, #tpu.memory_space<semaphore_mem>>) src(%dma_wait3A_466 : memref<1024xf32, #tpu.memory_space<hbm>>) dst(%dma_wait3A_464 : memref<1024xf32, #tpu.memory_space<vmem>>)
      %dma_wait3A_467 = arith.constant 1 : i32
      %dma_wait3A_468 = arith.constant 1 : i32
      %dma_wait3A_469 = arith.constant 0 : i32
      %dma_wait3A_470 = tpu.memref_slice %arg7[%dma_wait3A_468, %dma_wait3A_469] : memref<4x1024xf32, #tpu.memory_space<vmem>> -> memref<1x1024xf32, #tpu.memory_space<vmem>>
      %dma_wait3A_471 = tpu.memref_squeeze %dma_wait3A_470 : memref<1x1024xf32, #tpu.memory_space<vmem>> -> memref<1024xf32, #tpu.memory_space<vmem>>
      %dma_wait3A_472 = tpu.memref_slice %arg2[%select_n3A_433, %dma_wait3A_467, %add3A_454] : memref<8x2x262144xf32, #tpu.memory_space<hbm>> -> memref<1x1x1024xf32, #tpu.memory_space<hbm>>
      %dma_wait3A_473 = tpu.memref_squeeze %dma_wait3A_472 : memref<1x1x1024xf32, #tpu.memory_space<hbm>> -> memref<1024xf32, #tpu.memory_space<hbm>>
      %dma_wait3A_474 = arith.constant 0 : i32
      %dma_wait3A_475 = tpu.memref_slice %arg7[%dma_wait3A_468, %dma_wait3A_474] : memref<4x1024xf32, #tpu.memory_space<vmem>> -> memref<1x1024xf32, #tpu.memory_space<vmem>>
      %dma_wait3A_476 = tpu.memref_squeeze %dma_wait3A_475 : memref<1x1024xf32, #tpu.memory_space<vmem>> -> memref<1024xf32, #tpu.memory_space<vmem>>
      %dma_wait3A_477 = tpu.memref_slice %arg2[%select_n3A_433, %dma_wait3A_467, %add3A_454] : memref<8x2x262144xf32, #tpu.memory_space<hbm>> -> memref<1x1x1024xf32, #tpu.memory_space<hbm>>
      %dma_wait3A_478 = tpu.memref_squeeze %dma_wait3A_477 : memref<1x1x1024xf32, #tpu.memory_space<hbm>> -> memref<1024xf32, #tpu.memory_space<hbm>>
      tpu.wait_dma2 semaphore(%arg16 : memref<!tpu.dma_semaphore, #tpu.memory_space<semaphore_mem>>) src(%dma_wait3A_478 : memref<1024xf32, #tpu.memory_space<hbm>>) dst(%dma_wait3A_476 : memref<1024xf32, #tpu.memory_space<vmem>>)
      %dma_wait3A_479 = arith.constant 2 : i32
      %dma_wait3A_480 = arith.constant 0 : i32
      %dma_wait3A_481 = tpu.memref_slice %arg7[%dma_wait3A_479, %dma_wait3A_480] : memref<4x1024xf32, #tpu.memory_space<vmem>> -> memref<1x1024xf32, #tpu.memory_space<vmem>>
      %dma_wait3A_482 = tpu.memref_squeeze %dma_wait3A_481 : memref<1x1024xf32, #tpu.memory_space<vmem>> -> memref<1024xf32, #tpu.memory_space<vmem>>
      %dma_wait3A_483 = tpu.memref_slice %arg3[%select_n3A_433, %add3A_454] : memref<8x262144xf32, #tpu.memory_space<hbm>> -> memref<1x1024xf32, #tpu.memory_space<hbm>>
      %dma_wait3A_484 = tpu.memref_squeeze %dma_wait3A_483 : memref<1x1024xf32, #tpu.memory_space<hbm>> -> memref<1024xf32, #tpu.memory_space<hbm>>
      %dma_wait3A_485 = arith.constant 0 : i32
      %dma_wait3A_486 = tpu.memref_slice %arg7[%dma_wait3A_479, %dma_wait3A_485] : memref<4x1024xf32, #tpu.memory_space<vmem>> -> memref<1x1024xf32, #tpu.memory_space<vmem>>
      %dma_wait3A_487 = tpu.memref_squeeze %dma_wait3A_486 : memref<1x1024xf32, #tpu.memory_space<vmem>> -> memref<1024xf32, #tpu.memory_space<vmem>>
      %dma_wait3A_488 = tpu.memref_slice %arg3[%select_n3A_433, %add3A_454] : memref<8x262144xf32, #tpu.memory_space<hbm>> -> memref<1x1024xf32, #tpu.memory_space<hbm>>
      %dma_wait3A_489 = tpu.memref_squeeze %dma_wait3A_488 : memref<1x1024xf32, #tpu.memory_space<hbm>> -> memref<1024xf32, #tpu.memory_space<hbm>>
      tpu.wait_dma2 semaphore(%arg16 : memref<!tpu.dma_semaphore, #tpu.memory_space<semaphore_mem>>) src(%dma_wait3A_489 : memref<1024xf32, #tpu.memory_space<hbm>>) dst(%dma_wait3A_487 : memref<1024xf32, #tpu.memory_space<vmem>>)
      %dma_wait3A_490 = arith.constant 3 : i32
      %dma_wait3A_491 = arith.constant 0 : i32
      %dma_wait3A_492 = tpu.memref_slice %arg7[%dma_wait3A_490, %dma_wait3A_491] : memref<4x1024xf32, #tpu.memory_space<vmem>> -> memref<1x1024xf32, #tpu.memory_space<vmem>>
      %dma_wait3A_493 = tpu.memref_squeeze %dma_wait3A_492 : memref<1x1024xf32, #tpu.memory_space<vmem>> -> memref<1024xf32, #tpu.memory_space<vmem>>
      %dma_wait3A_494 = tpu.memref_slice %arg4[%select_n3A_433, %add3A_454] : memref<8x262144xf32, #tpu.memory_space<hbm>> -> memref<1x1024xf32, #tpu.memory_space<hbm>>
      %dma_wait3A_495 = tpu.memref_squeeze %dma_wait3A_494 : memref<1x1024xf32, #tpu.memory_space<hbm>> -> memref<1024xf32, #tpu.memory_space<hbm>>
      %dma_wait3A_496 = arith.constant 0 : i32
      %dma_wait3A_497 = tpu.memref_slice %arg7[%dma_wait3A_490, %dma_wait3A_496] : memref<4x1024xf32, #tpu.memory_space<vmem>> -> memref<1x1024xf32, #tpu.memory_space<vmem>>
      %dma_wait3A_498 = tpu.memref_squeeze %dma_wait3A_497 : memref<1x1024xf32, #tpu.memory_space<vmem>> -> memref<1024xf32, #tpu.memory_space<vmem>>
      %dma_wait3A_499 = tpu.memref_slice %arg4[%select_n3A_433, %add3A_454] : memref<8x262144xf32, #tpu.memory_space<hbm>> -> memref<1x1024xf32, #tpu.memory_space<hbm>>
      %dma_wait3A_500 = tpu.memref_squeeze %dma_wait3A_499 : memref<1x1024xf32, #tpu.memory_space<hbm>> -> memref<1024xf32, #tpu.memory_space<hbm>>
      tpu.wait_dma2 semaphore(%arg16 : memref<!tpu.dma_semaphore, #tpu.memory_space<semaphore_mem>>) src(%dma_wait3A_500 : memref<1024xf32, #tpu.memory_space<hbm>>) dst(%dma_wait3A_498 : memref<1024xf32, #tpu.memory_space<vmem>>)
      %add3A_501 = arith.constant 1 : i32
      %add3A_502 = arith.addi %add3A_216, %add3A_501 : i32
      %min3A = arith.minsi %add3A_502, %scan3A_101 : i32
      %jit3A_503 = arith.constant 8 : i32
      %div3A_504 = arith.divsi %min3A, %jit3A_503 : i32
      %sign3A_505 = arith.constant 0 : i32
      %sign3A_506 = arith.cmpi sgt, %min3A, %sign3A_505 : i32
      %sign3A_507 = arith.extui %sign3A_506 : i1 to i32
      %sign3A_508 = arith.constant 0 : i32
      %sign3A_509 = arith.cmpi slt, %min3A, %sign3A_508 : i32
      %sign3A_510 = arith.extui %sign3A_509 : i1 to i32
      %sign3A_511 = arith.subi %sign3A_507, %sign3A_510 : i32
      %sign3A_512 = arith.constant 0 : i32
      %sign3A_513 = arith.cmpi sgt, %jit3A_503, %sign3A_512 : i32
      %sign3A_514 = arith.extui %sign3A_513 : i1 to i32
      %sign3A_515 = arith.constant 0 : i32
      %sign3A_516 = arith.cmpi slt, %jit3A_503, %sign3A_515 : i32
      %sign3A_517 = arith.extui %sign3A_516 : i1 to i32
      %sign3A_518 = arith.subi %sign3A_514, %sign3A_517 : i32
      %ne3A_519 = arith.cmpi ne, %sign3A_511, %sign3A_518 : i32
      %rem3A_520 = arith.remsi %min3A, %jit3A_503 : i32
      %ne3A_521 = arith.constant 0 : i32
      %ne3A_522 = arith.cmpi ne, %rem3A_520, %ne3A_521 : i32
      %and3A_523 = arith.andi %ne3A_519, %ne3A_522 : i1
      %sub3A_524 = arith.constant 1 : i32
      %sub3A_525 = arith.subi %div3A_504, %sub3A_524 : i32
      %select_n3A_526 = arith.select %and3A_523, %sub3A_525, %div3A_504 : i32
      %jit3A_527 = arith.constant 8 : i32
      %eq3A_528 = arith.constant 0 : i32
      %eq3A_529 = arith.cmpi eq, %jit3A_527, %eq3A_528 : i32
      %jit3A_530 = arith.constant 1 : i32
      %select_n3A_531 = arith.select %eq3A_529, %jit3A_530, %jit3A_527 : i32
      %rem3A_532 = arith.remsi %min3A, %select_n3A_531 : i32
      %ne3A_533 = arith.constant 0 : i32
      %ne3A_534 = arith.cmpi ne, %rem3A_532, %ne3A_533 : i32
      %lt3A_535 = arith.constant 0 : i32
      %lt3A_536 = arith.cmpi slt, %rem3A_532, %lt3A_535 : i32
      %lt3A_537 = arith.constant 0 : i32
      %lt3A_538 = arith.cmpi slt, %select_n3A_531, %lt3A_537 : i32
      %ne3A_539 = arith.xori %lt3A_536, %lt3A_538 : i1
      %and3A_540 = arith.andi %ne3A_539, %ne3A_534 : i1
      %add3A_541 = arith.addi %rem3A_532, %select_n3A_531 : i32
      %select_n3A_542 = arith.select %and3A_540, %add3A_541, %rem3A_532 : i32
      %mul3A_543 = arith.constant 8192 : i32
      %mul3A_544 = arith.muli %add3A, %mul3A_543 : i32
      %mul3A_545 = arith.constant 1024 : i32
      %mul3A_546 = arith.muli %select_n3A_542, %mul3A_545 : i32
      %add3A_547 = arith.addi %mul3A_544, %mul3A_546 : i32
      %dma_start3A_548 = arith.constant 0 : i32
      %dma_start3A_549 = arith.constant 0 : i32
      %dma_start3A_550 = arith.constant 0 : i32
      %dma_start3A_551 = tpu.memref_slice %arg6[%dma_start3A_549, %dma_start3A_550] : memref<4x1024xf32, #tpu.memory_space<vmem>> -> memref<1x1024xf32, #tpu.memory_space<vmem>>
      %dma_start3A_552 = tpu.memref_squeeze %dma_start3A_551 : memref<1x1024xf32, #tpu.memory_space<vmem>> -> memref<1024xf32, #tpu.memory_space<vmem>>
      %dma_start3A_553 = tpu.memref_slice %arg2[%select_n3A_526, %dma_start3A_548, %add3A_547] : memref<8x2x262144xf32, #tpu.memory_space<hbm>> -> memref<1x1x1024xf32, #tpu.memory_space<hbm>>
      %dma_start3A_554 = tpu.memref_squeeze %dma_start3A_553 : memref<1x1x1024xf32, #tpu.memory_space<hbm>> -> memref<1024xf32, #tpu.memory_space<hbm>>
      %dma_start3A_555 = arith.constant 0 : i32
      %dma_start3A_556 = tpu.memref_slice %arg6[%dma_start3A_549, %dma_start3A_555] : memref<4x1024xf32, #tpu.memory_space<vmem>> -> memref<1x1024xf32, #tpu.memory_space<vmem>>
      %dma_start3A_557 = tpu.memref_squeeze %dma_start3A_556 : memref<1x1024xf32, #tpu.memory_space<vmem>> -> memref<1024xf32, #tpu.memory_space<vmem>>
      %dma_start3A_558 = tpu.memref_slice %arg2[%select_n3A_526, %dma_start3A_548, %add3A_547] : memref<8x2x262144xf32, #tpu.memory_space<hbm>> -> memref<1x1x1024xf32, #tpu.memory_space<hbm>>
      %dma_start3A_559 = tpu.memref_squeeze %dma_start3A_558 : memref<1x1x1024xf32, #tpu.memory_space<hbm>> -> memref<1024xf32, #tpu.memory_space<hbm>>
      tpu.enqueue_dma source(%dma_start3A_559 : memref<1024xf32, #tpu.memory_space<hbm>>) target(%dma_start3A_557 : memref<1024xf32, #tpu.memory_space<vmem>>) target_semaphore(%arg15 : memref<!tpu.dma_semaphore, #tpu.memory_space<semaphore_mem>>)
      %dma_start3A_560 = arith.constant 1 : i32
      %dma_start3A_561 = arith.constant 1 : i32
      %dma_start3A_562 = arith.constant 0 : i32
      %dma_start3A_563 = tpu.memref_slice %arg6[%dma_start3A_561, %dma_start3A_562] : memref<4x1024xf32, #tpu.memory_space<vmem>> -> memref<1x1024xf32, #tpu.memory_space<vmem>>
      %dma_start3A_564 = tpu.memref_squeeze %dma_start3A_563 : memref<1x1024xf32, #tpu.memory_space<vmem>> -> memref<1024xf32, #tpu.memory_space<vmem>>
      %dma_start3A_565 = tpu.memref_slice %arg2[%select_n3A_526, %dma_start3A_560, %add3A_547] : memref<8x2x262144xf32, #tpu.memory_space<hbm>> -> memref<1x1x1024xf32, #tpu.memory_space<hbm>>
      %dma_start3A_566 = tpu.memref_squeeze %dma_start3A_565 : memref<1x1x1024xf32, #tpu.memory_space<hbm>> -> memref<1024xf32, #tpu.memory_space<hbm>>
      %dma_start3A_567 = arith.constant 0 : i32
      %dma_start3A_568 = tpu.memref_slice %arg6[%dma_start3A_561, %dma_start3A_567] : memref<4x1024xf32, #tpu.memory_space<vmem>> -> memref<1x1024xf32, #tpu.memory_space<vmem>>
      %dma_start3A_569 = tpu.memref_squeeze %dma_start3A_568 : memref<1x1024xf32, #tpu.memory_space<vmem>> -> memref<1024xf32, #tpu.memory_space<vmem>>
      %dma_start3A_570 = tpu.memref_slice %arg2[%select_n3A_526, %dma_start3A_560, %add3A_547] : memref<8x2x262144xf32, #tpu.memory_space<hbm>> -> memref<1x1x1024xf32, #tpu.memory_space<hbm>>
      %dma_start3A_571 = tpu.memref_squeeze %dma_start3A_570 : memref<1x1x1024xf32, #tpu.memory_space<hbm>> -> memref<1024xf32, #tpu.memory_space<hbm>>
      tpu.enqueue_dma source(%dma_start3A_571 : memref<1024xf32, #tpu.memory_space<hbm>>) target(%dma_start3A_569 : memref<1024xf32, #tpu.memory_space<vmem>>) target_semaphore(%arg15 : memref<!tpu.dma_semaphore, #tpu.memory_space<semaphore_mem>>)
      %dma_start3A_572 = arith.constant 2 : i32
      %dma_start3A_573 = arith.constant 0 : i32
      %dma_start3A_574 = tpu.memref_slice %arg6[%dma_start3A_572, %dma_start3A_573] : memref<4x1024xf32, #tpu.memory_space<vmem>> -> memref<1x1024xf32, #tpu.memory_space<vmem>>
      %dma_start3A_575 = tpu.memref_squeeze %dma_start3A_574 : memref<1x1024xf32, #tpu.memory_space<vmem>> -> memref<1024xf32, #tpu.memory_space<vmem>>
      %dma_start3A_576 = tpu.memref_slice %arg3[%select_n3A_526, %add3A_547] : memref<8x262144xf32, #tpu.memory_space<hbm>> -> memref<1x1024xf32, #tpu.memory_space<hbm>>
      %dma_start3A_577 = tpu.memref_squeeze %dma_start3A_576 : memref<1x1024xf32, #tpu.memory_space<hbm>> -> memref<1024xf32, #tpu.memory_space<hbm>>
      %dma_start3A_578 = arith.constant 0 : i32
      %dma_start3A_579 = tpu.memref_slice %arg6[%dma_start3A_572, %dma_start3A_578] : memref<4x1024xf32, #tpu.memory_space<vmem>> -> memref<1x1024xf32, #tpu.memory_space<vmem>>
      %dma_start3A_580 = tpu.memref_squeeze %dma_start3A_579 : memref<1x1024xf32, #tpu.memory_space<vmem>> -> memref<1024xf32, #tpu.memory_space<vmem>>
      %dma_start3A_581 = tpu.memref_slice %arg3[%select_n3A_526, %add3A_547] : memref<8x262144xf32, #tpu.memory_space<hbm>> -> memref<1x1024xf32, #tpu.memory_space<hbm>>
      %dma_start3A_582 = tpu.memref_squeeze %dma_start3A_581 : memref<1x1024xf32, #tpu.memory_space<hbm>> -> memref<1024xf32, #tpu.memory_space<hbm>>
      tpu.enqueue_dma source(%dma_start3A_582 : memref<1024xf32, #tpu.memory_space<hbm>>) target(%dma_start3A_580 : memref<1024xf32, #tpu.memory_space<vmem>>) target_semaphore(%arg15 : memref<!tpu.dma_semaphore, #tpu.memory_space<semaphore_mem>>)
      %dma_start3A_583 = arith.constant 3 : i32
      %dma_start3A_584 = arith.constant 0 : i32
      %dma_start3A_585 = tpu.memref_slice %arg6[%dma_start3A_583, %dma_start3A_584] : memref<4x1024xf32, #tpu.memory_space<vmem>> -> memref<1x1024xf32, #tpu.memory_space<vmem>>
      %dma_start3A_586 = tpu.memref_squeeze %dma_start3A_585 : memref<1x1024xf32, #tpu.memory_space<vmem>> -> memref<1024xf32, #tpu.memory_space<vmem>>
      %dma_start3A_587 = tpu.memref_slice %arg4[%select_n3A_526, %add3A_547] : memref<8x262144xf32, #tpu.memory_space<hbm>> -> memref<1x1024xf32, #tpu.memory_space<hbm>>
      %dma_start3A_588 = tpu.memref_squeeze %dma_start3A_587 : memref<1x1024xf32, #tpu.memory_space<hbm>> -> memref<1024xf32, #tpu.memory_space<hbm>>
      %dma_start3A_589 = arith.constant 0 : i32
      %dma_start3A_590 = tpu.memref_slice %arg6[%dma_start3A_583, %dma_start3A_589] : memref<4x1024xf32, #tpu.memory_space<vmem>> -> memref<1x1024xf32, #tpu.memory_space<vmem>>
      %dma_start3A_591 = tpu.memref_squeeze %dma_start3A_590 : memref<1x1024xf32, #tpu.memory_space<vmem>> -> memref<1024xf32, #tpu.memory_space<vmem>>
      %dma_start3A_592 = tpu.memref_slice %arg4[%select_n3A_526, %add3A_547] : memref<8x262144xf32, #tpu.memory_space<hbm>> -> memref<1x1024xf32, #tpu.memory_space<hbm>>
      %dma_start3A_593 = tpu.memref_squeeze %dma_start3A_592 : memref<1x1024xf32, #tpu.memory_space<hbm>> -> memref<1024xf32, #tpu.memory_space<hbm>>
      tpu.enqueue_dma source(%dma_start3A_593 : memref<1024xf32, #tpu.memory_space<hbm>>) target(%dma_start3A_591 : memref<1024xf32, #tpu.memory_space<vmem>>) target_semaphore(%arg15 : memref<!tpu.dma_semaphore, #tpu.memory_space<semaphore_mem>>)
      %scan3A_594 = arith.constant 0 : i32
      %scan3A_595 = arith.constant 0 : i32
      %scan3A_596 = arith.constant 64 : i32
      %scan3A_597 = arith.addi %scan3A_595, %scan3A_596 : i32
      %scan3A_598 = arith.constant 1 : i32
      %scan3A_599 = scf.for %scan3A_606 = %scan3A_595 to %scan3A_597 step %scan3A_598 iter_args(%scan3A_607 = %scan3A_594) -> (i32)  : i32 {
        %mul3A_608 = arith.constant 16 : i32
        %mul3A_609 = arith.muli %scan3A_606, %mul3A_608 : i32
        %get3A = arith.constant 0 : i32
        %get3A_610 = arith.index_cast %get3A : i32 to index
        %get3A_611 = arith.index_cast %mul3A_609 : i32 to index
        %get3A_612 = tpu.vector_load %arg7[%get3A_610, %get3A_611] {strides = array<i32>} : memref<4x1024xf32, #tpu.memory_space<vmem>>, vector<1x16xf32>,
        %get3A_613 = vector.shape_cast %get3A_612 : vector<1x16xf32> to vector<16xf32>
        %get3A_614 = arith.constant 1 : i32
        %get3A_615 = arith.index_cast %get3A_614 : i32 to index
        %get3A_616 = arith.index_cast %mul3A_609 : i32 to index
        %get3A_617 = tpu.vector_load %arg7[%get3A_615, %get3A_616] {strides = array<i32>} : memref<4x1024xf32, #tpu.memory_space<vmem>>, vector<1x16xf32>,
        %get3A_618 = vector.shape_cast %get3A_617 : vector<1x16xf32> to vector<16xf32>
        %get3A_619 = arith.constant 2 : i32
        %get3A_620 = arith.index_cast %get3A_619 : i32 to index
        %get3A_621 = arith.index_cast %mul3A_609 : i32 to index
        %get3A_622 = tpu.vector_load %arg7[%get3A_620, %get3A_621] {strides = array<i32>} : memref<4x1024xf32, #tpu.memory_space<vmem>>, vector<1x16xf32>,
        %get3A_623 = vector.shape_cast %get3A_622 : vector<1x16xf32> to vector<16xf32>
        %get3A_624 = arith.constant 3 : i32
        %get3A_625 = arith.index_cast %get3A_624 : i32 to index
        %get3A_626 = arith.index_cast %mul3A_609 : i32 to index
        %get3A_627 = tpu.vector_load %arg7[%get3A_625, %get3A_626] {strides = array<i32>} : memref<4x1024xf32, #tpu.memory_space<vmem>>, vector<1x16xf32>,
        %get3A_628 = vector.shape_cast %get3A_627 : vector<1x16xf32> to vector<16xf32>
        %mul3A_629 = vector.broadcast %scan3A_96 : f32 to vector<16xf32>
        %mul3A_630 = arith.mulf %get3A_613, %mul3A_629 : vector<16xf32>
        %add3A_631 = vector.broadcast %scan3A_97 : f32 to vector<16xf32>
        %add3A_632 = arith.addf %mul3A_630, %add3A_631 : vector<16xf32>
        %mul3A_633 = vector.broadcast %scan3A_96 : f32 to vector<16xf32>
        %mul3A_634 = arith.mulf %get3A_618, %mul3A_633 : vector<16xf32>
        %add3A_635 = vector.broadcast %scan3A_97 : f32 to vector<16xf32>
        %add3A_636 = arith.addf %mul3A_634, %add3A_635 : vector<16xf32>
        %mul3A_637 = vector.broadcast %scan3A_98 : f32 to vector<16xf32>
        %mul3A_638 = arith.mulf %get3A_623, %mul3A_637 : vector<16xf32>
        %add3A_639 = vector.broadcast %scan3A_99 : f32 to vector<16xf32>
        %add3A_640 = arith.addf %mul3A_638, %add3A_639 : vector<16xf32>
        %convert_element_type3A_641 = arith.fptosi %add3A_632 : vector<16xf32> to vector<16xi32>
        %convert_element_type3A_642 = arith.fptosi %add3A_636 : vector<16xf32> to vector<16xi32>
        %convert_element_type3A_643 = arith.fptosi %add3A_640 : vector<16xf32> to vector<16xi32>
        %convert_element_type3A_644 = arith.sitofp %convert_element_type3A_641 : vector<16xi32> to vector<16xf32>
        %sub3A_645 = arith.subf %add3A_632, %convert_element_type3A_644 : vector<16xf32>
        %convert_element_type3A_646 = arith.sitofp %convert_element_type3A_642 : vector<16xi32> to vector<16xf32>
        %sub3A_647 = arith.subf %add3A_636, %convert_element_type3A_646 : vector<16xf32>
        %convert_element_type3A_648 = arith.sitofp %convert_element_type3A_643 : vector<16xi32> to vector<16xf32>
        %sub3A_649 = arith.subf %add3A_640, %convert_element_type3A_648 : vector<16xf32>
        %ge3A = arith.constant 0.000000e+00 : f32
        %ge3A_650 = vector.broadcast %ge3A : f32 to vector<16xf32>
        %ge3A_651 = arith.cmpf oge, %add3A_632, %ge3A_650 : vector<16xf32>
        %lt3A_652 = arith.constant 5.110000e+02 : f32
        %lt3A_653 = vector.broadcast %lt3A_652 : f32 to vector<16xf32>
        %lt3A_654 = arith.cmpf olt, %add3A_632, %lt3A_653 : vector<16xf32>
        %and3A_655 = arith.andi %ge3A_651, %lt3A_654 : vector<16xi1>
        %ge3A_656 = arith.constant 0.000000e+00 : f32
        %ge3A_657 = vector.broadcast %ge3A_656 : f32 to vector<16xf32>
        %ge3A_658 = arith.cmpf oge, %add3A_636, %ge3A_657 : vector<16xf32>
        %and3A_659 = arith.andi %and3A_655, %ge3A_658 : vector<16xi1>
        %lt3A_660 = arith.constant 5.110000e+02 : f32
        %lt3A_661 = vector.broadcast %lt3A_660 : f32 to vector<16xf32>
        %lt3A_662 = arith.cmpf olt, %add3A_636, %lt3A_661 : vector<16xf32>
        %and3A_663 = arith.andi %and3A_659, %lt3A_662 : vector<16xi1>
        %ge3A_664 = arith.constant 0.000000e+00 : f32
        %ge3A_665 = vector.broadcast %ge3A_664 : f32 to vector<16xf32>
        %ge3A_666 = arith.cmpf oge, %add3A_640, %ge3A_665 : vector<16xf32>
        %and3A_667 = arith.andi %and3A_663, %ge3A_666 : vector<16xi1>
        %lt3A_668 = arith.constant 6.300000e+01 : f32
        %lt3A_669 = vector.broadcast %lt3A_668 : f32 to vector<16xf32>
        %lt3A_670 = arith.cmpf olt, %add3A_640, %lt3A_669 : vector<16xf32>
        %and3A_671 = arith.andi %and3A_667, %lt3A_670 : vector<16xi1>
        %jit3A_672 = arith.constant 0.000000e+00 : f32
        %broadcast_in_dim3A = vector.broadcast %jit3A_672 : f32 to vector<16xf32>
        %select_n3A_673 = arith.select %and3A_671, %get3A_628, %broadcast_in_dim3A : vector<16xi1>, vector<16xf32>
        %mul3A_674 = vector.broadcast %scan3A_100 : f32 to vector<16xf32>
        %mul3A_675 = arith.mulf %select_n3A_673, %mul3A_674 : vector<16xf32>
        %jit3A_676 = arith.constant 0 : i32
        %jit3A_677 = arith.constant 510 : i32
        %max3A = vector.broadcast %jit3A_676 : i32 to vector<16xi32>
        %max3A_678 = arith.maxsi %max3A, %convert_element_type3A_641 : vector<16xi32>
        %min3A_679 = vector.broadcast %jit3A_677 : i32 to vector<16xi32>
        %min3A_680 = arith.minsi %min3A_679, %max3A_678 : vector<16xi32>
        %jit3A_681 = arith.constant 0 : i32
        %jit3A_682 = arith.constant 510 : i32
        %max3A_683 = vector.broadcast %jit3A_681 : i32 to vector<16xi32>
        %max3A_684 = arith.maxsi %max3A_683, %convert_element_type3A_642 : vector<16xi32>
        %min3A_685 = vector.broadcast %jit3A_682 : i32 to vector<16xi32>
        %min3A_686 = arith.minsi %min3A_685, %max3A_684 : vector<16xi32>
        %jit3A_687 = arith.constant 0 : i32
        %jit3A_688 = arith.constant 62 : i32
        %max3A_689 = vector.broadcast %jit3A_687 : i32 to vector<16xi32>
        %max3A_690 = arith.maxsi %max3A_689, %convert_element_type3A_643 : vector<16xi32>
        %min3A_691 = vector.broadcast %jit3A_688 : i32 to vector<16xi32>
        %min3A_692 = arith.minsi %min3A_691, %max3A_690 : vector<16xi32>
        %shift_right_arithmetic3A = arith.constant 2 : i32
        %shift_right_arithmetic3A_693 = vector.broadcast %shift_right_arithmetic3A : i32 to vector<16xi32>
        %shift_right_arithmetic3A_694 = arith.shrsi %min3A_680, %shift_right_arithmetic3A_693 : vector<16xi32>
        %add3A_695 = arith.constant 1 : i32
        %add3A_696 = vector.broadcast %add3A_695 : i32 to vector<16xi32>
        %add3A_697 = arith.addi %min3A_680, %add3A_696 : vector<16xi32>
        %shift_right_arithmetic3A_698 = arith.constant 2 : i32
        %shift_right_arithmetic3A_699 = vector.broadcast %shift_right_arithmetic3A_698 : i32 to vector<16xi32>
        %shift_right_arithmetic3A_700 = arith.shrsi %add3A_697, %shift_right_arithmetic3A_699 : vector<16xi32>
        %shift_right_arithmetic3A_701 = arith.constant 2 : i32
        %shift_right_arithmetic3A_702 = vector.broadcast %shift_right_arithmetic3A_701 : i32 to vector<16xi32>
        %shift_right_arithmetic3A_703 = arith.shrsi %min3A_686, %shift_right_arithmetic3A_702 : vector<16xi32>
        %add3A_704 = arith.constant 1 : i32
        %add3A_705 = vector.broadcast %add3A_704 : i32 to vector<16xi32>
        %add3A_706 = arith.addi %min3A_686, %add3A_705 : vector<16xi32>
        %shift_right_arithmetic3A_707 = arith.constant 2 : i32
        %shift_right_arithmetic3A_708 = vector.broadcast %shift_right_arithmetic3A_707 : i32 to vector<16xi32>
        %shift_right_arithmetic3A_709 = arith.shrsi %add3A_706, %shift_right_arithmetic3A_708 : vector<16xi32>
        %mul3A_710 = arith.constant 16384 : i32
        %mul3A_711 = vector.broadcast %mul3A_710 : i32 to vector<16xi32>
        %mul3A_712 = arith.muli %min3A_692, %mul3A_711 : vector<16xi32>
        %add3A_713 = arith.constant 16384 : i32
        %add3A_714 = vector.broadcast %add3A_713 : i32 to vector<16xi32>
        %add3A_715 = arith.addi %mul3A_712, %add3A_714 : vector<16xi32>
        %mul3A_716 = arith.constant 128 : i32
        %mul3A_717 = vector.broadcast %mul3A_716 : i32 to vector<16xi32>
        %mul3A_718 = arith.muli %shift_right_arithmetic3A_703, %mul3A_717 : vector<16xi32>
        %mul3A_719 = arith.constant 128 : i32
        %mul3A_720 = vector.broadcast %mul3A_719 : i32 to vector<16xi32>
        %mul3A_721 = arith.muli %shift_right_arithmetic3A_709, %mul3A_720 : vector<16xi32>
        %add3A_722 = arith.addi %mul3A_712, %mul3A_718 : vector<16xi32>
        %add3A_723 = arith.addi %mul3A_712, %mul3A_721 : vector<16xi32>
        %add3A_724 = arith.addi %add3A_715, %mul3A_718 : vector<16xi32>
        %add3A_725 = arith.addi %add3A_715, %mul3A_721 : vector<16xi32>
        %mul3A_726 = arith.mulf %mul3A_675, %sub3A_649 : vector<16xf32>
        %mul3A_727 = arith.mulf %mul3A_726, %sub3A_647 : vector<16xf32>
        %sub3A_728 = arith.subf %mul3A_675, %mul3A_726 : vector<16xf32>
        %mul3A_729 = arith.mulf %sub3A_728, %sub3A_647 : vector<16xf32>
        %sub3A_730 = arith.subf %sub3A_728, %mul3A_729 : vector<16xf32>
        %mul3A_731 = arith.mulf %sub3A_730, %sub3A_645 : vector<16xf32>
        %sub3A_732 = arith.subf %sub3A_730, %mul3A_731 : vector<16xf32>
        %mul3A_733 = arith.mulf %mul3A_727, %sub3A_645 : vector<16xf32>
        %sub3A_734 = arith.subf %mul3A_727, %mul3A_733 : vector<16xf32>
        %mul3A_735 = arith.constant 128 : i32
        %mul3A_736 = arith.muli %scan3A_606, %mul3A_735 : i32
        %add3A_737 = arith.addi %add3A_722, %shift_right_arithmetic3A_694 : vector<16xi32>
        %add3A_738 = arith.constant 0 : i32
        %add3A_739 = arith.addi %mul3A_736, %add3A_738 : i32
        %swap3A = arith.index_cast %add3A_739 : i32 to index
        %swap3A_740 = tpu.vector_load %arg10[%swap3A] {strides = array<i32>} : memref<8192xi32, #tpu.memory_space<vmem>>, vector<16xi32>,
        %swap3A_741 = vector.shape_cast %swap3A_740 : vector<16xi32> to vector<16xi32>
        %swap3A_742 = vector.shape_cast %add3A_737 : vector<16xi32> to vector<16xi32>
        tpu.vector_store %arg10[%swap3A], %swap3A_742 {strides = array<i32>} : memref<8192xi32, #tpu.memory_space<vmem>>, vector<16xi32>,
        %add3A_743 = arith.constant 0 : i32
        %add3A_744 = arith.addi %mul3A_736, %add3A_743 : i32
        %swap3A_745 = arith.index_cast %add3A_744 : i32 to index
        %swap3A_746 = tpu.vector_load %arg11[%swap3A_745] {strides = array<i32>} : memref<8192xf32, #tpu.memory_space<vmem>>, vector<16xf32>,
        %swap3A_747 = vector.shape_cast %swap3A_746 : vector<16xf32> to vector<16xf32>
        %swap3A_748 = vector.shape_cast %sub3A_732 : vector<16xf32> to vector<16xf32>
        tpu.vector_store %arg11[%swap3A_745], %swap3A_748 {strides = array<i32>} : memref<8192xf32, #tpu.memory_space<vmem>>, vector<16xf32>,
        %add3A_749 = arith.addi %add3A_722, %shift_right_arithmetic3A_700 : vector<16xi32>
        %add3A_750 = arith.constant 16 : i32
        %add3A_751 = arith.addi %mul3A_736, %add3A_750 : i32
        %swap3A_752 = arith.index_cast %add3A_751 : i32 to index
        %swap3A_753 = tpu.vector_load %arg10[%swap3A_752] {strides = array<i32>} : memref<8192xi32, #tpu.memory_space<vmem>>, vector<16xi32>,
        %swap3A_754 = vector.shape_cast %swap3A_753 : vector<16xi32> to vector<16xi32>
        %swap3A_755 = vector.shape_cast %add3A_749 : vector<16xi32> to vector<16xi32>
        tpu.vector_store %arg10[%swap3A_752], %swap3A_755 {strides = array<i32>} : memref<8192xi32, #tpu.memory_space<vmem>>, vector<16xi32>,
        %add3A_756 = arith.constant 16 : i32
        %add3A_757 = arith.addi %mul3A_736, %add3A_756 : i32
        %swap3A_758 = arith.index_cast %add3A_757 : i32 to index
        %swap3A_759 = tpu.vector_load %arg11[%swap3A_758] {strides = array<i32>} : memref<8192xf32, #tpu.memory_space<vmem>>, vector<16xf32>,
        %swap3A_760 = vector.shape_cast %swap3A_759 : vector<16xf32> to vector<16xf32>
        %swap3A_761 = vector.shape_cast %mul3A_731 : vector<16xf32> to vector<16xf32>
        tpu.vector_store %arg11[%swap3A_758], %swap3A_761 {strides = array<i32>} : memref<8192xf32, #tpu.memory_space<vmem>>, vector<16xf32>,
        %add3A_762 = arith.addi %add3A_723, %shift_right_arithmetic3A_694 : vector<16xi32>
        %add3A_763 = arith.constant 32 : i32
        %add3A_764 = arith.addi %mul3A_736, %add3A_763 : i32
        %swap3A_765 = arith.index_cast %add3A_764 : i32 to index
        %swap3A_766 = tpu.vector_load %arg10[%swap3A_765] {strides = array<i32>} : memref<8192xi32, #tpu.memory_space<vmem>>, vector<16xi32>,
        %swap3A_767 = vector.shape_cast %swap3A_766 : vector<16xi32> to vector<16xi32>
        %swap3A_768 = vector.shape_cast %add3A_762 : vector<16xi32> to vector<16xi32>
        tpu.vector_store %arg10[%swap3A_765], %swap3A_768 {strides = array<i32>} : memref<8192xi32, #tpu.memory_space<vmem>>, vector<16xi32>,
        %add3A_769 = arith.constant 32 : i32
        %add3A_770 = arith.addi %mul3A_736, %add3A_769 : i32
        %swap3A_771 = arith.index_cast %add3A_770 : i32 to index
        %swap3A_772 = tpu.vector_load %arg11[%swap3A_771] {strides = array<i32>} : memref<8192xf32, #tpu.memory_space<vmem>>, vector<16xf32>,
        %swap3A_773 = vector.shape_cast %swap3A_772 : vector<16xf32> to vector<16xf32>
        %swap3A_774 = vector.shape_cast %sub3A_732 : vector<16xf32> to vector<16xf32>
        tpu.vector_store %arg11[%swap3A_771], %swap3A_774 {strides = array<i32>} : memref<8192xf32, #tpu.memory_space<vmem>>, vector<16xf32>,
        %add3A_775 = arith.addi %add3A_723, %shift_right_arithmetic3A_700 : vector<16xi32>
        %add3A_776 = arith.constant 48 : i32
        %add3A_777 = arith.addi %mul3A_736, %add3A_776 : i32
        %swap3A_778 = arith.index_cast %add3A_777 : i32 to index
        %swap3A_779 = tpu.vector_load %arg10[%swap3A_778] {strides = array<i32>} : memref<8192xi32, #tpu.memory_space<vmem>>, vector<16xi32>,
        %swap3A_780 = vector.shape_cast %swap3A_779 : vector<16xi32> to vector<16xi32>
        %swap3A_781 = vector.shape_cast %add3A_775 : vector<16xi32> to vector<16xi32>
        tpu.vector_store %arg10[%swap3A_778], %swap3A_781 {strides = array<i32>} : memref<8192xi32, #tpu.memory_space<vmem>>, vector<16xi32>,
        %add3A_782 = arith.constant 48 : i32
        %add3A_783 = arith.addi %mul3A_736, %add3A_782 : i32
        %swap3A_784 = arith.index_cast %add3A_783 : i32 to index
        %swap3A_785 = tpu.vector_load %arg11[%swap3A_784] {strides = array<i32>} : memref<8192xf32, #tpu.memory_space<vmem>>, vector<16xf32>,
        %swap3A_786 = vector.shape_cast %swap3A_785 : vector<16xf32> to vector<16xf32>
        %swap3A_787 = vector.shape_cast %mul3A_731 : vector<16xf32> to vector<16xf32>
        tpu.vector_store %arg11[%swap3A_784], %swap3A_787 {strides = array<i32>} : memref<8192xf32, #tpu.memory_space<vmem>>, vector<16xf32>,
        %add3A_788 = arith.addi %add3A_724, %shift_right_arithmetic3A_694 : vector<16xi32>
        %add3A_789 = arith.constant 64 : i32
        %add3A_790 = arith.addi %mul3A_736, %add3A_789 : i32
        %swap3A_791 = arith.index_cast %add3A_790 : i32 to index
        %swap3A_792 = tpu.vector_load %arg10[%swap3A_791] {strides = array<i32>} : memref<8192xi32, #tpu.memory_space<vmem>>, vector<16xi32>,
        %swap3A_793 = vector.shape_cast %swap3A_792 : vector<16xi32> to vector<16xi32>
        %swap3A_794 = vector.shape_cast %add3A_788 : vector<16xi32> to vector<16xi32>
        tpu.vector_store %arg10[%swap3A_791], %swap3A_794 {strides = array<i32>} : memref<8192xi32, #tpu.memory_space<vmem>>, vector<16xi32>,
        %add3A_795 = arith.constant 64 : i32
        %add3A_796 = arith.addi %mul3A_736, %add3A_795 : i32
        %swap3A_797 = arith.index_cast %add3A_796 : i32 to index
        %swap3A_798 = tpu.vector_load %arg11[%swap3A_797] {strides = array<i32>} : memref<8192xf32, #tpu.memory_space<vmem>>, vector<16xf32>,
        %swap3A_799 = vector.shape_cast %swap3A_798 : vector<16xf32> to vector<16xf32>
        %swap3A_800 = vector.shape_cast %sub3A_734 : vector<16xf32> to vector<16xf32>
        tpu.vector_store %arg11[%swap3A_797], %swap3A_800 {strides = array<i32>} : memref<8192xf32, #tpu.memory_space<vmem>>, vector<16xf32>,
        %add3A_801 = arith.addi %add3A_724, %shift_right_arithmetic3A_700 : vector<16xi32>
        %add3A_802 = arith.constant 80 : i32
        %add3A_803 = arith.addi %mul3A_736, %add3A_802 : i32
        %swap3A_804 = arith.index_cast %add3A_803 : i32 to index
        %swap3A_805 = tpu.vector_load %arg10[%swap3A_804] {strides = array<i32>} : memref<8192xi32, #tpu.memory_space<vmem>>, vector<16xi32>,
        %swap3A_806 = vector.shape_cast %swap3A_805 : vector<16xi32> to vector<16xi32>
        %swap3A_807 = vector.shape_cast %add3A_801 : vector<16xi32> to vector<16xi32>
        tpu.vector_store %arg10[%swap3A_804], %swap3A_807 {strides = array<i32>} : memref<8192xi32, #tpu.memory_space<vmem>>, vector<16xi32>,
        %add3A_808 = arith.constant 80 : i32
        %add3A_809 = arith.addi %mul3A_736, %add3A_808 : i32
        %swap3A_810 = arith.index_cast %add3A_809 : i32 to index
        %swap3A_811 = tpu.vector_load %arg11[%swap3A_810] {strides = array<i32>} : memref<8192xf32, #tpu.memory_space<vmem>>, vector<16xf32>,
        %swap3A_812 = vector.shape_cast %swap3A_811 : vector<16xf32> to vector<16xf32>
        %swap3A_813 = vector.shape_cast %mul3A_733 : vector<16xf32> to vector<16xf32>
        tpu.vector_store %arg11[%swap3A_810], %swap3A_813 {strides = array<i32>} : memref<8192xf32, #tpu.memory_space<vmem>>, vector<16xf32>,
        %add3A_814 = arith.addi %add3A_725, %shift_right_arithmetic3A_694 : vector<16xi32>
        %add3A_815 = arith.constant 96 : i32
        %add3A_816 = arith.addi %mul3A_736, %add3A_815 : i32
        %swap3A_817 = arith.index_cast %add3A_816 : i32 to index
        %swap3A_818 = tpu.vector_load %arg10[%swap3A_817] {strides = array<i32>} : memref<8192xi32, #tpu.memory_space<vmem>>, vector<16xi32>,
        %swap3A_819 = vector.shape_cast %swap3A_818 : vector<16xi32> to vector<16xi32>
        %swap3A_820 = vector.shape_cast %add3A_814 : vector<16xi32> to vector<16xi32>
        tpu.vector_store %arg10[%swap3A_817], %swap3A_820 {strides = array<i32>} : memref<8192xi32, #tpu.memory_space<vmem>>, vector<16xi32>,
        %add3A_821 = arith.constant 96 : i32
        %add3A_822 = arith.addi %mul3A_736, %add3A_821 : i32
        %swap3A_823 = arith.index_cast %add3A_822 : i32 to index
        %swap3A_824 = tpu.vector_load %arg11[%swap3A_823] {strides = array<i32>} : memref<8192xf32, #tpu.memory_space<vmem>>, vector<16xf32>,
        %swap3A_825 = vector.shape_cast %swap3A_824 : vector<16xf32> to vector<16xf32>
        %swap3A_826 = vector.shape_cast %sub3A_734 : vector<16xf32> to vector<16xf32>
        tpu.vector_store %arg11[%swap3A_823], %swap3A_826 {strides = array<i32>} : memref<8192xf32, #tpu.memory_space<vmem>>, vector<16xf32>,
        %add3A_827 = arith.addi %add3A_725, %shift_right_arithmetic3A_700 : vector<16xi32>
        %add3A_828 = arith.constant 112 : i32
        %add3A_829 = arith.addi %mul3A_736, %add3A_828 : i32
        %swap3A_830 = arith.index_cast %add3A_829 : i32 to index
        %swap3A_831 = tpu.vector_load %arg10[%swap3A_830] {strides = array<i32>} : memref<8192xi32, #tpu.memory_space<vmem>>, vector<16xi32>,
        %swap3A_832 = vector.shape_cast %swap3A_831 : vector<16xi32> to vector<16xi32>
        %swap3A_833 = vector.shape_cast %add3A_827 : vector<16xi32> to vector<16xi32>
        tpu.vector_store %arg10[%swap3A_830], %swap3A_833 {strides = array<i32>} : memref<8192xi32, #tpu.memory_space<vmem>>, vector<16xi32>,
        %add3A_834 = arith.constant 112 : i32
        %add3A_835 = arith.addi %mul3A_736, %add3A_834 : i32
        %swap3A_836 = arith.index_cast %add3A_835 : i32 to index
        %swap3A_837 = tpu.vector_load %arg11[%swap3A_836] {strides = array<i32>} : memref<8192xf32, #tpu.memory_space<vmem>>, vector<16xf32>,
        %swap3A_838 = vector.shape_cast %swap3A_837 : vector<16xf32> to vector<16xf32>
        %swap3A_839 = vector.shape_cast %mul3A_733 : vector<16xf32> to vector<16xf32>
        tpu.vector_store %arg11[%swap3A_836], %swap3A_839 {strides = array<i32>} : memref<8192xf32, #tpu.memory_space<vmem>>, vector<16xf32>,
        %scan3A_840 = arith.constant 0 : i32
        scf.yield %scan3A_840 : i32
      }
      %scan3A_600 = arith.constant 64 : i32
      %dma_wait3A_601 = arith.constant 0 : i32
      %dma_wait3A_602 = tpu.memref_slice %arg12[%dma_wait3A_601] : memref<1048576xf32, #tpu.memory_space<vmem_shared>> -> memref<1048576xf32, #tpu.memory_space<vmem_shared>>
      tpu.wait_indirect_dma semaphore(%arg13 : memref<!tpu.dma_semaphore, #tpu.memory_space<semaphore_mem>>) src(%arg9 : memref<8192xf32, #tpu.memory_space<vmem>>) dst(%dma_wait3A_602 : memref<1048576xf32, #tpu.memory_space<vmem_shared>>)
      %dma_start3A_603 = arith.constant 0 : i32
      %dma_start3A_604 = tpu.memref_slice %arg12[%dma_start3A_603] : memref<1048576xf32, #tpu.memory_space<vmem_shared>> -> memref<1048576xf32, #tpu.memory_space<vmem_shared>>
      tpu.enqueue_indirect_dma source(%arg11 : memref<8192xf32, #tpu.memory_space<vmem>>) target(%dma_start3A_604 : memref<1048576xf32, #tpu.memory_space<vmem_shared>>) offsets(%arg10 : memref<8192xi32, #tpu.memory_space<vmem>>) semaphore(%arg14 : memref<!tpu.dma_semaphore, #tpu.memory_space<semaphore_mem>>) {add = true}
      %scan3A_605 = arith.constant 0 : i32
      scf.yield %scan3A_605 : i32
    }
    %scan3A_108 = arith.constant 32 : i32
    %dma_wait3A = arith.constant 0 : i32
    %dma_wait3A_109 = tpu.memref_slice %arg12[%dma_wait3A] : memref<1048576xf32, #tpu.memory_space<vmem_shared>> -> memref<1048576xf32, #tpu.memory_space<vmem_shared>>
    tpu.wait_indirect_dma semaphore(%arg14 : memref<!tpu.dma_semaphore, #tpu.memory_space<semaphore_mem>>) src(%arg11 : memref<8192xf32, #tpu.memory_space<vmem>>) dst(%dma_wait3A_109 : memref<1048576xf32, #tpu.memory_space<vmem_shared>>)
    %jit3A_110 = arith.constant 63 : i32
    %jit3A_111 = arith.constant 8 : i32
    %div3A_112 = arith.divsi %jit3A_110, %jit3A_111 : i32
    %sign3A_113 = arith.constant 0 : i32
    %sign3A_114 = arith.cmpi sgt, %jit3A_110, %sign3A_113 : i32
    %sign3A_115 = arith.extui %sign3A_114 : i1 to i32
    %sign3A_116 = arith.constant 0 : i32
    %sign3A_117 = arith.cmpi slt, %jit3A_110, %sign3A_116 : i32
    %sign3A_118 = arith.extui %sign3A_117 : i1 to i32
    %sign3A_119 = arith.subi %sign3A_115, %sign3A_118 : i32
    %sign3A_120 = arith.constant 0 : i32
    %sign3A_121 = arith.cmpi sgt, %jit3A_111, %sign3A_120 : i32
    %sign3A_122 = arith.extui %sign3A_121 : i1 to i32
    %sign3A_123 = arith.constant 0 : i32
    %sign3A_124 = arith.cmpi slt, %jit3A_111, %sign3A_123 : i32
    %sign3A_125 = arith.extui %sign3A_124 : i1 to i32
    %sign3A_126 = arith.subi %sign3A_122, %sign3A_125 : i32
    %ne3A_127 = arith.cmpi ne, %sign3A_119, %sign3A_126 : i32
    %rem3A_128 = arith.remsi %jit3A_110, %jit3A_111 : i32
    %ne3A_129 = arith.constant 0 : i32
    %ne3A_130 = arith.cmpi ne, %rem3A_128, %ne3A_129 : i32
    %and3A_131 = arith.andi %ne3A_127, %ne3A_130 : i1
    %sub3A_132 = arith.constant 1 : i32
    %sub3A_133 = arith.subi %div3A_112, %sub3A_132 : i32
    %select_n3A_134 = arith.select %and3A_131, %sub3A_133, %div3A_112 : i32
    %jit3A_135 = arith.constant 63 : i32
    %jit3A_136 = arith.constant 8 : i32
    %eq3A_137 = arith.constant 0 : i32
    %eq3A_138 = arith.cmpi eq, %jit3A_136, %eq3A_137 : i32
    %jit3A_139 = arith.constant 1 : i32
    %select_n3A_140 = arith.select %eq3A_138, %jit3A_139, %jit3A_136 : i32
    %rem3A_141 = arith.remsi %jit3A_135, %select_n3A_140 : i32
    %ne3A_142 = arith.constant 0 : i32
    %ne3A_143 = arith.cmpi ne, %rem3A_141, %ne3A_142 : i32
    %lt3A_144 = arith.constant 0 : i32
    %lt3A_145 = arith.cmpi slt, %rem3A_141, %lt3A_144 : i32
    %lt3A_146 = arith.constant 0 : i32
    %lt3A_147 = arith.cmpi slt, %select_n3A_140, %lt3A_146 : i32
    %ne3A_148 = arith.xori %lt3A_145, %lt3A_147 : i1
    %and3A_149 = arith.andi %ne3A_148, %ne3A_143 : i1
    %add3A_150 = arith.addi %rem3A_141, %select_n3A_140 : i32
    %select_n3A_151 = arith.select %and3A_149, %add3A_150, %rem3A_141 : i32
    %mul3A_152 = arith.constant 8192 : i32
    %mul3A_153 = arith.muli %add3A, %mul3A_152 : i32
    %mul3A_154 = arith.constant 1024 : i32
    %mul3A_155 = arith.muli %select_n3A_151, %mul3A_154 : i32
    %add3A_156 = arith.addi %mul3A_153, %mul3A_155 : i32
    %dma_wait3A_157 = arith.constant 0 : i32
    %dma_wait3A_158 = arith.constant 0 : i32
    %dma_wait3A_159 = arith.constant 0 : i32
    %dma_wait3A_160 = tpu.memref_slice %arg6[%dma_wait3A_158, %dma_wait3A_159] : memref<4x1024xf32, #tpu.memory_space<vmem>> -> memref<1x1024xf32, #tpu.memory_space<vmem>>
    %dma_wait3A_161 = tpu.memref_squeeze %dma_wait3A_160 : memref<1x1024xf32, #tpu.memory_space<vmem>> -> memref<1024xf32, #tpu.memory_space<vmem>>
    %dma_wait3A_162 = tpu.memref_slice %arg2[%select_n3A_134, %dma_wait3A_157, %add3A_156] : memref<8x2x262144xf32, #tpu.memory_space<hbm>> -> memref<1x1x1024xf32, #tpu.memory_space<hbm>>
    %dma_wait3A_163 = tpu.memref_squeeze %dma_wait3A_162 : memref<1x1x1024xf32, #tpu.memory_space<hbm>> -> memref<1024xf32, #tpu.memory_space<hbm>>
    %dma_wait3A_164 = arith.constant 0 : i32
    %dma_wait3A_165 = tpu.memref_slice %arg6[%dma_wait3A_158, %dma_wait3A_164] : memref<4x1024xf32, #tpu.memory_space<vmem>> -> memref<1x1024xf32, #tpu.memory_space<vmem>>
    %dma_wait3A_166 = tpu.memref_squeeze %dma_wait3A_165 : memref<1x1024xf32, #tpu.memory_space<vmem>> -> memref<1024xf32, #tpu.memory_space<vmem>>
    %dma_wait3A_167 = tpu.memref_slice %arg2[%select_n3A_134, %dma_wait3A_157, %add3A_156] : memref<8x2x262144xf32, #tpu.memory_space<hbm>> -> memref<1x1x1024xf32, #tpu.memory_space<hbm>>
    %dma_wait3A_168 = tpu.memref_squeeze %dma_wait3A_167 : memref<1x1x1024xf32, #tpu.memory_space<hbm>> -> memref<1024xf32, #tpu.memory_space<hbm>>
    tpu.wait_dma2 semaphore(%arg15 : memref<!tpu.dma_semaphore, #tpu.memory_space<semaphore_mem>>) src(%dma_wait3A_168 : memref<1024xf32, #tpu.memory_space<hbm>>) dst(%dma_wait3A_166 : memref<1024xf32, #tpu.memory_space<vmem>>)
    %dma_wait3A_169 = arith.constant 1 : i32
    %dma_wait3A_170 = arith.constant 1 : i32
    %dma_wait3A_171 = arith.constant 0 : i32
    %dma_wait3A_172 = tpu.memref_slice %arg6[%dma_wait3A_170, %dma_wait3A_171] : memref<4x1024xf32, #tpu.memory_space<vmem>> -> memref<1x1024xf32, #tpu.memory_space<vmem>>
    %dma_wait3A_173 = tpu.memref_squeeze %dma_wait3A_172 : memref<1x1024xf32, #tpu.memory_space<vmem>> -> memref<1024xf32, #tpu.memory_space<vmem>>
    %dma_wait3A_174 = tpu.memref_slice %arg2[%select_n3A_134, %dma_wait3A_169, %add3A_156] : memref<8x2x262144xf32, #tpu.memory_space<hbm>> -> memref<1x1x1024xf32, #tpu.memory_space<hbm>>
    %dma_wait3A_175 = tpu.memref_squeeze %dma_wait3A_174 : memref<1x1x1024xf32, #tpu.memory_space<hbm>> -> memref<1024xf32, #tpu.memory_space<hbm>>
    %dma_wait3A_176 = arith.constant 0 : i32
    %dma_wait3A_177 = tpu.memref_slice %arg6[%dma_wait3A_170, %dma_wait3A_176] : memref<4x1024xf32, #tpu.memory_space<vmem>> -> memref<1x1024xf32, #tpu.memory_space<vmem>>
    %dma_wait3A_178 = tpu.memref_squeeze %dma_wait3A_177 : memref<1x1024xf32, #tpu.memory_space<vmem>> -> memref<1024xf32, #tpu.memory_space<vmem>>
    %dma_wait3A_179 = tpu.memref_slice %arg2[%select_n3A_134, %dma_wait3A_169, %add3A_156] : memref<8x2x262144xf32, #tpu.memory_space<hbm>> -> memref<1x1x1024xf32, #tpu.memory_space<hbm>>
    %dma_wait3A_180 = tpu.memref_squeeze %dma_wait3A_179 : memref<1x1x1024xf32, #tpu.memory_space<hbm>> -> memref<1024xf32, #tpu.memory_space<hbm>>
    tpu.wait_dma2 semaphore(%arg15 : memref<!tpu.dma_semaphore, #tpu.memory_space<semaphore_mem>>) src(%dma_wait3A_180 : memref<1024xf32, #tpu.memory_space<hbm>>) dst(%dma_wait3A_178 : memref<1024xf32, #tpu.memory_space<vmem>>)
    %dma_wait3A_181 = arith.constant 2 : i32
    %dma_wait3A_182 = arith.constant 0 : i32
    %dma_wait3A_183 = tpu.memref_slice %arg6[%dma_wait3A_181, %dma_wait3A_182] : memref<4x1024xf32, #tpu.memory_space<vmem>> -> memref<1x1024xf32, #tpu.memory_space<vmem>>
    %dma_wait3A_184 = tpu.memref_squeeze %dma_wait3A_183 : memref<1x1024xf32, #tpu.memory_space<vmem>> -> memref<1024xf32, #tpu.memory_space<vmem>>
    %dma_wait3A_185 = tpu.memref_slice %arg3[%select_n3A_134, %add3A_156] : memref<8x262144xf32, #tpu.memory_space<hbm>> -> memref<1x1024xf32, #tpu.memory_space<hbm>>
    %dma_wait3A_186 = tpu.memref_squeeze %dma_wait3A_185 : memref<1x1024xf32, #tpu.memory_space<hbm>> -> memref<1024xf32, #tpu.memory_space<hbm>>
    %dma_wait3A_187 = arith.constant 0 : i32
    %dma_wait3A_188 = tpu.memref_slice %arg6[%dma_wait3A_181, %dma_wait3A_187] : memref<4x1024xf32, #tpu.memory_space<vmem>> -> memref<1x1024xf32, #tpu.memory_space<vmem>>
    %dma_wait3A_189 = tpu.memref_squeeze %dma_wait3A_188 : memref<1x1024xf32, #tpu.memory_space<vmem>> -> memref<1024xf32, #tpu.memory_space<vmem>>
    %dma_wait3A_190 = tpu.memref_slice %arg3[%select_n3A_134, %add3A_156] : memref<8x262144xf32, #tpu.memory_space<hbm>> -> memref<1x1024xf32, #tpu.memory_space<hbm>>
    %dma_wait3A_191 = tpu.memref_squeeze %dma_wait3A_190 : memref<1x1024xf32, #tpu.memory_space<hbm>> -> memref<1024xf32, #tpu.memory_space<hbm>>
    tpu.wait_dma2 semaphore(%arg15 : memref<!tpu.dma_semaphore, #tpu.memory_space<semaphore_mem>>) src(%dma_wait3A_191 : memref<1024xf32, #tpu.memory_space<hbm>>) dst(%dma_wait3A_189 : memref<1024xf32, #tpu.memory_space<vmem>>)
    %dma_wait3A_192 = arith.constant 3 : i32
    %dma_wait3A_193 = arith.constant 0 : i32
    %dma_wait3A_194 = tpu.memref_slice %arg6[%dma_wait3A_192, %dma_wait3A_193] : memref<4x1024xf32, #tpu.memory_space<vmem>> -> memref<1x1024xf32, #tpu.memory_space<vmem>>
    %dma_wait3A_195 = tpu.memref_squeeze %dma_wait3A_194 : memref<1x1024xf32, #tpu.memory_space<vmem>> -> memref<1024xf32, #tpu.memory_space<vmem>>
    %dma_wait3A_196 = tpu.memref_slice %arg4[%select_n3A_134, %add3A_156] : memref<8x262144xf32, #tpu.memory_space<hbm>> -> memref<1x1024xf32, #tpu.memory_space<hbm>>
    %dma_wait3A_197 = tpu.memref_squeeze %dma_wait3A_196 : memref<1x1024xf32, #tpu.memory_space<hbm>> -> memref<1024xf32, #tpu.memory_space<hbm>>
    %dma_wait3A_198 = arith.constant 0 : i32
    %dma_wait3A_199 = tpu.memref_slice %arg6[%dma_wait3A_192, %dma_wait3A_198] : memref<4x1024xf32, #tpu.memory_space<vmem>> -> memref<1x1024xf32, #tpu.memory_space<vmem>>
    %dma_wait3A_200 = tpu.memref_squeeze %dma_wait3A_199 : memref<1x1024xf32, #tpu.memory_space<vmem>> -> memref<1024xf32, #tpu.memory_space<vmem>>
    %dma_wait3A_201 = tpu.memref_slice %arg4[%select_n3A_134, %add3A_156] : memref<8x262144xf32, #tpu.memory_space<hbm>> -> memref<1x1024xf32, #tpu.memory_space<hbm>>
    %dma_wait3A_202 = tpu.memref_squeeze %dma_wait3A_201 : memref<1x1024xf32, #tpu.memory_space<hbm>> -> memref<1024xf32, #tpu.memory_space<hbm>>
    tpu.wait_dma2 semaphore(%arg15 : memref<!tpu.dma_semaphore, #tpu.memory_space<semaphore_mem>>) src(%dma_wait3A_202 : memref<1024xf32, #tpu.memory_space<hbm>>) dst(%dma_wait3A_200 : memref<1024xf32, #tpu.memory_space<vmem>>)
    %barrier3A_203 = arith.constant 0 : index
    tpu.barrier barrier_id(%barrier3A_203)
    %scan3A_204 = arith.constant 0 : i32
    %scan3A_205 = arith.constant 0 : i32
    %scan3A_206 = arith.constant 8 : i32
    %scan3A_207 = arith.addi %scan3A_205, %scan3A_206 : i32
    %scan3A_208 = arith.constant 1 : i32
    %scan3A_209 = scf.for %scan3A_211 = %scan3A_205 to %scan3A_207 step %scan3A_208 iter_args(%scan3A_212 = %scan3A_204) -> (i32)  : i32 {
      %mul3A_213 = arith.constant 65536 : i32
      %mul3A_214 = arith.muli %arg1, %mul3A_213 : i32
      %mul3A_215 = arith.constant 8192 : i32
      %mul3A_216 = arith.muli %scan3A_211, %mul3A_215 : i32
      %add3A_217 = arith.addi %mul3A_214, %mul3A_216 : i32
      "tpu.region"() ({
        %run_scoped3A = tpu.sem_alloc : memref<!tpu.dma_semaphore, #tpu.memory_space<semaphore_mem>>
        %dma_start3A_219 = tpu.memref_slice %arg5[%arg0, %add3A_217] : memref<2x1048576xf32, #tpu.memory_space<hbm>> -> memref<1x8192xf32, #tpu.memory_space<hbm>>
        %dma_start3A_220 = tpu.memref_squeeze %dma_start3A_219 : memref<1x8192xf32, #tpu.memory_space<hbm>> -> memref<8192xf32, #tpu.memory_space<hbm>>
        %dma_start3A_221 = tpu.memref_slice %arg12[%add3A_217] : memref<1048576xf32, #tpu.memory_space<vmem_shared>> -> memref<8192xf32, #tpu.memory_space<vmem_shared>>
        tpu.enqueue_dma source(%dma_start3A_221 : memref<8192xf32, #tpu.memory_space<vmem_shared>>) target(%dma_start3A_220 : memref<8192xf32, #tpu.memory_space<hbm>>) target_semaphore(%run_scoped3A : memref<!tpu.dma_semaphore, #tpu.memory_space<semaphore_mem>>)
        %dma_wait3A_222 = tpu.memref_slice %arg5[%arg0, %add3A_217] : memref<2x1048576xf32, #tpu.memory_space<hbm>> -> memref<1x8192xf32, #tpu.memory_space<hbm>>
        %dma_wait3A_223 = tpu.memref_squeeze %dma_wait3A_222 : memref<1x8192xf32, #tpu.memory_space<hbm>> -> memref<8192xf32, #tpu.memory_space<hbm>>
        %dma_wait3A_224 = tpu.memref_slice %arg12[%add3A_217] : memref<1048576xf32, #tpu.memory_space<vmem_shared>> -> memref<8192xf32, #tpu.memory_space<vmem_shared>>
        tpu.wait_dma2 semaphore(%run_scoped3A : memref<!tpu.dma_semaphore, #tpu.memory_space<semaphore_mem>>) src(%dma_wait3A_224 : memref<8192xf32, #tpu.memory_space<vmem_shared>>) dst(%dma_wait3A_223 : memref<8192xf32, #tpu.memory_space<hbm>>)
        tpu.yield
      }) : () -> ()
      %scan3A_218 = arith.constant 0 : i32
      scf.yield %scan3A_218 : i32
    }
    %scan3A_210 = arith.constant 8 : i32
    return
  }
}

module attributes {stable_mosaic.version = 14 : i64} {
  func.func @_merge_body(%arg0: i32, %arg1: memref<2x8x16384xf32, #tpu.memory_space<vmem>>, %arg2: memref<8x16384xf32, #tpu.memory_space<vmem>>) attributes {dimension_semantics = [#tpu.dimension_semantics<arbitrary>], iteration_bounds = array<i64: 8>, scalar_prefetch = 0 : i64, scratch_operands = 0 : i64, tpu.core_type = #tpu.core_type<tc>, window_params = [{transform_indices = @transform_0, window_bounds = array<i64: 2, 8, 16384>}, {transform_indices = @transform_1, window_bounds = array<i64: 8, 16384>}]} {
    %get3A = arith.constant 0 : index
    %get3A_0 = arith.constant 0 : index
    %get3A_1 = arith.constant 0 : index
    %get3A_2 = vector.load %arg1[%get3A, %get3A_0, %get3A_1] : memref<2x8x16384xf32, #tpu.memory_space<vmem>>, vector<1x8x16384xf32>
    %get3A_3 = vector.shape_cast %get3A_2 : vector<1x8x16384xf32> to vector<8x16384xf32>
    %get3A_4 = arith.constant 1 : index
    %get3A_5 = arith.constant 0 : index
    %get3A_6 = arith.constant 0 : index
    %get3A_7 = vector.load %arg1[%get3A_4, %get3A_5, %get3A_6] : memref<2x8x16384xf32, #tpu.memory_space<vmem>>, vector<1x8x16384xf32>
    %get3A_8 = vector.shape_cast %get3A_7 : vector<1x8x16384xf32> to vector<8x16384xf32>
    %add3A = arith.addf %get3A_3, %get3A_8 : vector<8x16384xf32>
    %swap3A = arith.constant 0 : index
    %swap3A_9 = arith.constant 0 : index
    %swap3A_10 = vector.load %arg2[%swap3A, %swap3A_9] : memref<8x16384xf32, #tpu.memory_space<vmem>>, vector<8x16384xf32>
    tpu.vector_store %arg2[%swap3A, %swap3A_9], %add3A {strides = array<i32>} : memref<8x16384xf32, #tpu.memory_space<vmem>>, vector<8x16384xf32>,
    return
  }
  func.func @transform_0(%arg0: i32) -> (i32, i32, i32) {
    %c0_i32 = arith.constant 0 : i32
    %c0_i32_0 = arith.constant 0 : i32
    %c0_i32_1 = arith.constant 0 : i32
    return %c0_i32, %arg0, %c0_i32_0 : i32, i32, i32
  }
  func.func @transform_1(%arg0: i32) -> (i32, i32) {
    %c0_i32 = arith.constant 0 : i32
    %c0_i32_0 = arith.constant 0 : i32
    return %arg0, %c0_i32 : i32, i32
  }
}

</mosaic_0001>

<sc_bundles>
// kernel: kernel.4.cloned.1.call-start
scs
__scs_entry_jumppad:
0x0: {  	(pc) =	sbr.rel $0x88, $3  }
0x1: {  	(tag) =	ssettag $0x0;
	lr =	simm.s32 $0x1  }
0x2: {  	[smem:$0x3F9E] =	sst lr;
	_ =	strace $0xD0000000  }
0x3: {  	_ = 	snop  }
0x4: {  	_ = 	snop  }
0x5: {  	_ = 	snop  }
0x6: {  	_ = 	snop  }
0x7: {  	_ = 	snop  }
__scs_overlays_trampoline_lowered:
0x8: {  	[smem:$0x3FAD] =	sst s0  }
0x9: {  	[smem:$0x3FAE] =	sst s1  }
0xa: {  	[smem:$0x3FAF] =	sst s2  }
0xb: {  	[smem:$0x3FB0] =	sst s3  }
0xc: {  	[smem:$0x3FB1] =	sst s4  }
0xd: {  	[smem:$0x3FB2] =	sst s5  }
0xe: {  	[smem:$0x3FB3] =	sst s6  }
0xf: {  	[smem:$0x3FB4] =	sst s7  }
0x10: {  	[smem:$0x3FB5] =	sst s8  }
0x11: {  	[smem:$0x3FB6] =	sst s9;
	s0 =	simm.s32 @!p0 $0x0  }
0x12: {  	s1 =	sld [smem:$0x3F9C];
	s0 =	simm.s32 @p0 $0x1  }
0x13: {  	[smem:$0x3FB7] =	sst s0;
	s0 =	simm.s32 @!p1 $0x0  }
0x14: {  	s2 =	sld [smem:$0x3F9B];
	s0 =	simm.s32 @p1 $0x1  }
0x15: {  	[smem:$0x3FB8] =	sst s0;
	s0 =	simm.s32 @!p2 $0x0  }
0x16: {  	s3 =	sld [smem:$0x3FDB];
	s0 =	simm.s32 @p2 $0x1  }
0x17: {  	s4 =	simm.s32 $0x1BF5;
	[smem:$0x3FBA] =	sst s0  }
0x18: {  	s0 =	sld [smem:$0x3F9D];
	_ =	swait.ge [sflag:s4], $0x0  }
0x19: {  	s7 =	sld [smem:$0x3F9E]  }
0x1a: {  	s8 =	sadd.s32 $0xFFFFE003, lr  }
0x1b: {  	s9 =	sadd.s32 $0xFFFFFEF7, lr;
	s5 =	simm.s32 $0xFFFFFFFF;
	p2 =	slt.u32 s8, $0xFFFFF086  }
0x1c: {  	p1 =	slt.u32 s9, $0xF7A;
	s5 =	simm.s32 @!p2 $0x0  }
0x1d: {  	s5 =	simm.s32 @p1 $0x1;
	p0 =	seq.s32 s7, s2  }
0x1e: {  	s7 =	smul.u32 @!p0 $0xF7A, s2;
	p2 =	seq.s32 @!p0 s5, $0x0  }
0x1f: {  	s9 =	smul.u32 $0xF7A, s1;
	s8 =	simm.s32 @!p0 $0x1BF5;
	p2 =	por !p2, p0  }
0x20: {  	[sflag:s8] =	ssyncset.s32 @!p0 $0xFFFFF086;
	s6 =	sadd.s32 @!p0 s3, s7;
	s7 =	simm.s32 @!p0 $0x108  }
0x21: {  	s3 =	sadd.s32 s3, s9;
	s6 =	sadd.s32 @!p0 $0x88, s6;
	s7 =	simm.s32 @p2 $0x1082  }
0x22: {  	[simem:s7], [sflag:s8] =	dma.local @!p0 [hbm:s6], $0xF7A  }
0x23: {  	s9 =	sor.u32 $0xD0000000, s2;
	s6 =	simm.s32 $0x108;
	_ =	swait.ge @!p0 [sflag:s8], $0x0  }
0x24: {  	s3 =	sadd.s32 $0x88, s3;
	s6 =	simm.s32 @!p1 $0x1082;
	[sflag:s4] =	ssyncset.s32 $0xFFFFF086  }
0x25: {  	[simem:s6], [sflag:s4] =	dma.local [hbm:s3], $0xF7A  }
0x26: {  	[smem:$0x3F9E] =	sst s1;
	(tag) =	ssettag s2;
	_ =	strace s9  }
0x27: {  	s1 =	sld [smem:$0x3FAE]  }
0x28: {  	s2 =	sld [smem:$0x3FAF]  }
0x29: {  	s4 =	sld [smem:$0x3FB1]  }
0x2a: {  	p0 =	seq.s32 s5, $0x0;
	s5 =	sld [smem:$0x3FB2]  }
0x2b: {  	s6 =	sld [smem:$0x3FB3]  }
0x2c: {  	s7 =	sld [smem:$0x3FB4]  }
0x2d: {  	s3 =	simm.s32 $0x108;
	s8 =	sld [smem:$0x3FB5]  }
0x2e: {  	s3 =	simm.s32 @!p0 $0x1082;
	s9 =	sld [smem:$0x3FB6]  }
0x2f: {  	lr =	sadd.s32 s0, s3;
	s0 =	sld [smem:$0x3FAD]  }
0x30: {  	s3 =	sld [smem:$0x3FB0]  }
0x31: {  	[smem:$0x3FB9] =	sst s10  }
0x32: {  	s10 =	sld [smem:$0x3FB7];
	_ =	sdelay $0x3  }
0x33: {  	p0 =	seq.s32 s10, $0x1;
	s10 =	sld [smem:$0x3FB9];
	_ =	sdelay $0x3  }
0x34: {  	[smem:$0x3FB9] =	sst s10  }
0x35: {  	s10 =	sld [smem:$0x3FB8];
	_ =	sdelay $0x3  }
0x36: {  	p1 =	seq.s32 s10, $0x1;
	s10 =	sld [smem:$0x3FB9];
	_ =	sdelay $0x3  }
0x37: {  	[smem:$0x3FB9] =	sst s10  }
0x38: {  	s10 =	sld [smem:$0x3FBA]  }
0x39: {  	_ = 	snop;
	(pc) =	sbr.ind lr, $3  }
0x3a: {  	_ = 	snop  }
0x3b: {  	_ = 	snop  }
0x3c: {  	p2 =	seq.s32 s10, $0x1;
	s10 =	sld [smem:$0x3FB9]  }
0x3d: {  	_ =	shalt  }
0x3e: {  	_ =	shalt  }
0x3f: {  	_ =	shalt  }
0x40: {  	_ =	shalt  }
0x41: {  	_ =	shalt  }
0x42: {  	_ =	shalt  }
0x43: {  	_ =	shalt  }
0x44: {  	_ =	shalt  }
0x45: {  	_ =	shalt  }
0x46: {  	_ =	shalt  }
0x47: {  	_ =	shalt  }
0x48: {  	_ =	shalt  }
0x49: {  	_ =	shalt  }
0x4a: {  	_ =	shalt  }
0x4b: {  	_ =	shalt  }
0x4c: {  	_ =	shalt  }
0x4d: {  	_ =	shalt  }
0x4e: {  	_ =	shalt  }
0x4f: {  	_ =	shalt  }
0x50: {  	_ =	shalt  }
0x51: {  	_ =	shalt  }
0x52: {  	_ =	shalt  }
0x53: {  	_ =	shalt  }
0x54: {  	_ =	shalt  }
0x55: {  	_ =	shalt  }
0x56: {  	_ =	shalt  }
0x57: {  	_ =	shalt  }
0x58: {  	_ =	shalt  }
0x59: {  	_ =	shalt  }
0x5a: {  	_ =	shalt  }
0x5b: {  	_ =	shalt  }
0x5c: {  	_ =	shalt  }
0x5d: {  	_ =	shalt  }
0x5e: {  	_ =	shalt  }
0x5f: {  	_ =	shalt  }
0x60: {  	_ =	shalt  }
0x61: {  	_ =	shalt  }
0x62: {  	_ =	shalt  }
0x63: {  	_ =	shalt  }
0x64: {  	_ =	shalt  }
0x65: {  	_ =	shalt  }
0x66: {  	_ =	shalt  }
0x67: {  	_ =	shalt  }
0x68: {  	_ =	shalt  }
0x69: {  	_ =	shalt  }
0x6a: {  	_ =	shalt  }
0x6b: {  	_ =	shalt  }
0x6c: {  	_ =	shalt  }
0x6d: {  	_ =	shalt  }
0x6e: {  	_ =	shalt  }
0x6f: {  	_ =	shalt  }
0x70: {  	_ =	shalt  }
0x71: {  	_ =	shalt  }
0x72: {  	_ =	shalt  }
0x73: {  	_ =	shalt  }
0x74: {  	_ =	shalt  }
0x75: {  	_ =	shalt  }
0x76: {  	_ =	shalt  }
0x77: {  	_ =	shalt  }
0x78: {  	_ =	shalt  }
0x79: {  	_ =	shalt  }
0x7a: {  	_ =	shalt  }
0x7b: {  	_ =	shalt  }
0x7c: {  	_ =	shalt  }
0x7d: {  	_ =	shalt  }
0x7e: {  	_ =	shalt  }
0x7f: {  	_ =	shalt  }
0x80: {  	_ =	shalt  }
0x81: {  	_ =	shalt  }
0x82: {  	_ =	shalt  }
0x83: {  	_ =	shalt  }
0x84: {  	_ =	shalt  }
0x85: {  	_ =	shalt  }
0x86: {  	_ =	shalt  }
0x87: {  	_ =	shalt  }
.Lfunc_end0:
.L_simem_size_0:
called_computation_lowered:
.L_overlay_start_0:
0x88: {  	s2 =	sld [smem:$0x3FD9]  }
0x89: {  	s3 =	sld [smem:$0x3FFE];
	_ =	sdelay $0x1  }
0x8a: {  	s1 =	srdreg.scid  }
0x8b: {  	s0 =	sand.u32 $0x1, s1  }
0x8c: {  	s17 =	sshll.u32 s0, $0xA;
	s2 =	sadd.s32 s3, s2  }
0x8d: {  	s2 =	sadd.s32 s2, s17  }
0x8e: {  	[smem:$0x3FC5] =	sst s2  }
0x8f: {  	_ = 	snop  }
0x90: {  	s2 =	sld [smem:$0x3FC9]  }
0x91: {  	s18 =	sld [smem:$0x3FC8]  }
0x92: {  	s4 =	sld [smem:$0x3FC7];
	(tm) =	ssettm $0x1  }
0x93: {  	s5 =	sld [smem:$0x3FFB];
	_ =	sdelay $0x3  }
0x94: {  	_ =	strace s5  }
0x95: {  	s5 =	sld [smem:$0x3FFC];
	_ =	sdelay $0x3  }
0x96: {  	_ =	strace s5  }
0x97: {  	s5 =	sld [smem:$0x3FFD];
	_ =	sdelay $0x3  }
0x98: {  	_ =	strace s5  }
0x99: {  	_ =	strace $0x8FFFFFFF  }
0x9a: {  	s19 =	sld [smem:$0x3FDB];
	_ =	sdelay $0x1  }
0x9b: {  	s6 =	simm.s32 $_scs_section_size  }
0x9c: {  	s7 =	simm.s32 $_size__tile_overlayer_lowered;
	s8 =	simm.s32 $_tile_overlayer_lowered  }
0x9d: {  	s22 =	simm.s32 $0x1BFF;
	s21 =	sshll.u32 s8, $0x1;
	s5 =	sadd.s32 s6, s19  }
0x9e: {  	s9 =	simm.s32 $0x0;
	s20 =	sshll.u32 s7, $0x1;
	s7 =	sadd.s32 s21, s5  }
0x9f: {  	[timem:s9], [sflag:s22] =	dma.local [hbm:s7], s20  }
0xa0: {  	_ =	swait.ge [sflag:s22], s20  }
0xa1: {  	s6 =	ssub.s32 $0x0, s20;
	[sflag:s22] =	ssyncset.done $0x0  }
0xa2: {  	[sflag:s22] =	ssyncadd.s32 s6;
	_ =	sdelay $0x1  }
0xa3: {  	s23 =	simm.s32 $0x1B8B  }
0xa4: {  	_ =	swait.ge [sflag:s23], $0x1  }
0xa5: {  	[sflag:s23] =	ssyncset.done $0x0  }
0xa6: {  	s25 =	simm.s32 $0x1B8E;
	s24 =	sld [smem:$0x3FFE];
	[sflag:s23] =	ssyncadd.s32 $0xFFFFFFFF  }
0xa7: {  	s26 =	simm.s32 $execute0_lowered;
	[smem:$0x3FD2] =	sst s25  }
0xa8: {  	s7 =	sshll.u32 s26, $0x1;
	_ =	strace $0x80000046;
	[dreg:$0x1] =	wrdreg $0xFFFFFFFF  }
0xa9: {  	s28 =	simm.s32 $_size_execute0_lowered;
	s5 =	sadd.s32 s5, s7;
	[dreg:$0x0] =	wrdreg $0x0  }
0xaa: {  	s7 =	sshll.u32 s28, $0x1;
	[dreg:$0x2] =	wrdreg s5  }
0xab: {  	[dreg:$0x3] =	wrdreg s7  }
0xac: {  	[dreg:$0x4] =	wrdreg $0xC0  }
0xad: {  	_ =	task [dreg:s9], $0x5FFFF  }
0xae: {  	[dreg:$0x1] =	wrdreg $0xFFFFFFFF  }
0xaf: {  	[dreg:$0x0] =	wrdreg $0x60  }
0xb0: {  	[dreg:$0x2] =	wrdreg s2  }
0xb1: {  	[dreg:$0x3] =	wrdreg s18  }
0xb2: {  	[dreg:$0x4] =	wrdreg s4  }
0xb3: {  	[dreg:$0x5] =	wrdreg s24  }
0xb4: {  	[dreg:$0x6] =	wrdreg $0xA0000  }
0xb5: {  	[dreg:$0x7] =	wrdreg $0x9  }
0xb6: {  	_ =	task.clear_ibuf [dreg:s9], $0x8FFFF;
	_ =	strace $0x90000046  }
0xb7: {  	s29 =	simm.s32 $0x9;
	_ =	strace $0x80000048  }
0xb8: {  	_ =	swait.ge [sflag:s29], $0x1  }
0xb9: {  	[sflag:s29] =	ssyncadd.s32 $0xFFFFFFFF  }
0xba: {  	_ =	strace $0x90000048  }
0xbb: {  	_ =	sfence  }
0xbc: {  	s30 =	sld [smem:$0x0];
	_ =	sdelay $0x2  }
0xbd: {  	s31 =	sshll.u32 s1, $0xD;
	s1 =	sshrl.u32 s1, $0x2  }
0xbe: {  	s3 =	sand.u32 $0x4000, s31;
	s1 =	sadd.s32 s1, s30  }
0xbf: {  	s0 =	sor.u32 s3, s0;
	s1 =	sshll.u32 s1, $0x11  }
0xc0: {  	s0 =	sor.u32 s1, s0  }
0xc1: {  	s0 =	sadd.s32 $0x8F2B, s0  }
0xc2: {  	[sflag:s0] =	ssyncadd.remote.s32 $0x1  }
0xc3: {  	_ =	sfence.sel $0xFFFF  }
0xc4: {  	[dreg:$0x0] =	wrdreg $0xFFFFFFFF;
	(pc) =	sbr.abs _section_cstart, $3  }
0xc5: {  	[dreg:$0x1] =	wrdreg $0xFFFFFFFF  }
0xc6: {  	_ =	task.clear_ibuf [dreg:s9], $0x2FFFF;
	_ =	strace $0x9FFFFFFF  }
0xc7: {  	(tm) =	ssettm $0x7FFFFFFF  }
tec
execute0_lowered:
.L_overlay_start_1:
0x0: {  	(tag) =	ssettag $0x1  }
0x1: {  	s0 =	rddreg [dreg:$0x0]  }
0x2: {  	s2 =	rddreg [dreg:$0x1]  }
0x3: {  	s3 =	rddreg [dreg:$0x2]  }
0x4: {  	s1 =	rddreg [dreg:$0x3]  }
0x5: {  	s5 =	srdreg.scid;
	s4 =	rddreg [dreg:$0x4];
	s7 =	simm.s32 $0x0  }
0x6: {  	s8 =	simm.s32 $0x0;
	s11 =	stileid.u32;
	[dreg:$0x6] =	wrdreg s7  }
0x7: {  	s5 =	sand.u32 $0x1, s5;
	[smem:$0x7FF] =	sst s8;
	s8 =	sshll.u32 s11, $0x10  }
0x8: {  	s10 =	sshll.u32 s11, $0xD;
	s25 =	sshll.u32 s11, $0x11;
	s1 =	sadd.s32 $0x400, s1  }
0x9: {  	s6 =	ssub.s32 $0x2, s5;
	s9 =	sshll.u32 s5, $0x11;
	s5 =	sshll.u32 s5, $0x7  }
0xa: {  	s12 =	sor.u32 $0x4000, s8;
	s14 =	sor.u32 $0x6000, s8;
	s15 =	sor.u32 $0x8000, s8  }
0xb: {  	s19 =	sor.u32 $0xA000, s8;
	s20 =	sor.u32 $0xC000, s8;
	s21 =	sor.u32 $0xE000, s8  }
0xc: {  	_ =	strace $0x80000047;
	s7 =	sor.u32 s10, s9;
	s9 =	sor.u32 $0x2000, s8  }
0xd: {  	s10 =	sor.u32 s5, s25;
	s13 =	sshll.u32 s12, $0x1;
	s16 =	sshll.u32 s14, $0x1  }
0xe: {  	s17 =	sshll.u32 s15, $0x1;
	s18 =	sshll.u32 s19, $0x1;
	s22 =	sshll.u32 s20, $0x1  }
0xf: {  	s23 =	sshll.u32 s21, $0x1;
	s26 =	sshll.u32 s9, $0x1;
	s13 =	sor.u32 s5, s13  }
0x10: {  	s16 =	sor.u32 s5, s16;
	s17 =	sor.u32 s5, s17;
	s18 =	sor.u32 s5, s18  }
0x11: {  	s22 =	sor.u32 s5, s22;
	s10 =	sshrl.u32 s10, $0x3;
	s11 =	sor.u32 s5, s26  }
0x12: {  	s5 =	sor.u32 s5, s23;
	s10 =	sadd.s32 s1, s10;
	s13 =	sshrl.u32 s13, $0x3  }
0x13: {  	s17 =	sshrl.u32 s17, $0x3;
	[dreg:$0x7] =	wrdreg s10;
	s10 =	sadd.s32 s1, s13  }
0x14: {  	s26 =	sshrl.u32 s7, $0x2;
	s23 =	sadd.s32 s1, s17;
	[dreg:$0x9] =	wrdreg s10  }
0x15: {  	s17 =	sadd.s32 s8, s4;
	s8 =	sadd.s32 s0, s26;
	[dreg:$0xb] =	wrdreg s23  }
0x16: {  	s11 =	sshrl.u32 s11, $0x3;
	[dreg:$0x10] =	wrdreg s8  }
0x17: {  	s16 =	sshrl.u32 s16, $0x3;
	s11 =	sadd.s32 s1, s11;
	[dreg:$0xf] =	wrdreg s17  }
0x18: {  	s13 =	sadd.s32 s12, s4;
	s10 =	sadd.s32 s1, s16;
	[dreg:$0x8] =	wrdreg s11  }
0x19: {  	s24 =	sshrl.u32 s6, $0x1;
	s23 =	sshrl.u32 s13, $0x3;
	[dreg:$0xa] =	wrdreg s10  }
0x1a: {  	s6 =	ssub.s32 s6, s24;
	s8 =	sadd.s32 s2, s7;
	[dreg:$0x14] =	wrdreg s23  }
0x1b: {  	s24 =	sshrl.u32 s18, $0x3;
	s12 =	sadd.s32 $0x3000, s17;
	[dreg:$0x1a] =	wrdreg s8  }
0x1c: {  	s25 =	sshrl.u32 s22, $0x3;
	s13 =	sadd.s32 $0x4000, s17;
	[dreg:$0x1e] =	wrdreg s12  }
0x1d: {  	s16 =	sadd.s32 s15, s4;
	s15 =	sadd.s32 $0x6000, s17;
	[dreg:$0x1f] =	wrdreg s13  }
0x1e: {  	s22 =	sadd.s32 s21, s4;
	s21 =	sadd.s32 $0xA000, s17;
	[smem:$0x7F4] =	sst s15  }
0x1f: {  	s14 =	sadd.s32 s14, s4;
	s10 =	sadd.s32 s1, s24;
	[smem:$0x7F8] =	sst s21  }
0x20: {  	s24 =	sshrl.u32 s14, $0x3;
	[dreg:$0xc] =	wrdreg s10  }
0x21: {  	s11 =	sadd.s32 s9, s4;
	s9 =	sadd.s32 s3, s7;
	[dreg:$0x15] =	wrdreg s24  }
0x22: {  	s14 =	sadd.s32 $0x5000, s17;
	[dreg:$0x1b] =	wrdreg s9  }
0x23: {  	s23 =	sadd.s32 $0xC000, s17;
	[smem:$0x7F3] =	sst s14  }
0x24: {  	s5 =	sshrl.u32 s5, $0x3;
	s10 =	sadd.s32 s1, s25;
	[smem:$0x7FA] =	sst s23  }
0x25: {  	s1 =	sadd.s32 s1, s5;
	[dreg:$0xd] =	wrdreg s10  }
0x26: {  	s20 =	sadd.s32 s20, s4;
	s25 =	sshrl.u32 s16, $0x3;
	[dreg:$0xe] =	wrdreg s1  }
0x27: {  	s29 =	simm.s32 $0x1980;
	s5 =	sshrl.u32 s20, $0x3;
	[dreg:$0x16] =	wrdreg s25  }
0x28: {  	s30 =	simm.s32 $0x1D80;
	s16 =	sadd.s32 $0x7000, s17;
	[dreg:$0x18] =	wrdreg s5  }
0x29: {  	s28 =	simm.s32 $0x2000;
	s20 =	sadd.s32 $0x9000, s17;
	[smem:$0x7F5] =	sst s16  }
0x2a: {  	s18 =	sadd.s32 $0x10, s0;
	s24 =	sadd.s32 $0xD000, s17;
	[smem:$0x7F7] =	sst s20  }
0x2b: {  	s31 =	simm.s32 $0x1;
	s1 =	sadd.s32 s26, s18;
	[smem:$0x7FB] =	sst s24  }
0x2c: {  	s19 =	sadd.s32 s19, s4;
	s10 =	smax.u32 s6, $0x1;
	[dreg:$0x11] =	wrdreg s1  }
0x2d: {  	s12 =	simm.s32 $0xF80;
	s26 =	sshrl.u32 s19, $0x3;
	[dreg:$0x12] =	wrdreg s10  }
0x2e: {  	s13 =	simm.s32 $0x3;
	s6 =	sshrl.u32 s22, $0x3;
	[dreg:$0x17] =	wrdreg s26  }
0x2f: {  	s15 =	simm.s32 $0x1F80;
	s19 =	sadd.s32 $0x8000, s17;
	[dreg:$0x19] =	wrdreg s6  }
0x30: {  	s21 =	simm.s32 $0x6000;
	s22 =	sadd.s32 $0xB000, s17;
	[smem:$0x7F6] =	sst s19  }
0x31: {  	s23 =	simm.s32 $0x1B80;
	s25 =	sadd.s32 $0xE000, s17;
	[smem:$0x7F9] =	sst s22  }
0x32: {  	s24 =	sor.u32 $0x400, s7;
	s1 =	sshrl.u32 s11, $0x3;
	[smem:$0x7FC] =	sst s25  }
0x33: {  	s20 =	simm.s32 $0x1780;
	s10 =	sadd.s32 $0x1000, s17;
	[dreg:$0x13] =	wrdreg s1  }
0x34: {  	s16 =	simm.s32 $0x4;
	s11 =	sadd.s32 $0x2000, s17;
	[dreg:$0x1c] =	wrdreg s10  }
0x35: {  	s26 =	sadd.s32 $0xF000, s17;
	s25 =	simm.s32 $0x4000;
	[dreg:$0x1d] =	wrdreg s11  }
0x36: {  	v0 =	vimm.f32 $0.0e+00;
	[smem:$0x7FD] =	sst s26;
	s26 =	simm.s32 $0x5;
	s1 =	simm.s32 $0x8000  }
.LBB2_1:
0x37: {  	s5 =	simm.s32 $0x40;
	s6 =	simm.s32 $0x0  }
.LBB2_2:
0x38: {  	p0 =	sne.s32 s5, $0x7FC0;
	[tilespmem:s6+$0x4000] =	vst v0;
	s6 =	smov.u32 s5;
	s5 =	sadd.s32 $0x40, s5  }
.Ltmp0:
0x39: {  	(pc) =	sbr.rel @p0 .LBB2_2-.Ltmp0, $2  }
0x3a: {  	_ =	sdelay $0x2  }
0x3b: {  	s6 =	sshra.s32 s6, $0x2  }
0x3c: {  	[tilespmem:s6+$0x4000] =	vst v0  }
0x3d: {  	[spmem:s17] =	stream.linear.scatter [tilespmem:s25], [sflag:$0x5], $0x1000, $0x38;
	[tilespmem:$0x1A000] =	vst v63  }
0x3e: {  	_ =	swait.ge [sflag:s26], $0x1000  }
0x3f: {  	[sflag:s26] =	ssyncset.done $0x0  }
0x40: {  	s5 =	rddreg [dreg:$0x1c];
	[sflag:s26] =	ssyncadd.s32 $0xFFFFF000  }
0x41: {  	[spmem:s5] =	stream.linear.scatter [tilespmem:s25], [sflag:$0x5], $0x1000, $0x38;
	[tilespmem:$0x1A000] =	vst v63  }
0x42: {  	_ =	swait.ge [sflag:s26], $0x1000  }
0x43: {  	[sflag:s26] =	ssyncset.done $0x0  }
0x44: {  	s22 =	rddreg [dreg:$0x1d];
	[sflag:s26] =	ssyncadd.s32 $0xFFFFF000  }
0x45: {  	[spmem:s22] =	stream.linear.scatter [tilespmem:s25], [sflag:$0x5], $0x1000, $0x38;
	[tilespmem:$0x1A000] =	vst v63  }
0x46: {  	_ =	swait.ge [sflag:s26], $0x1000  }
0x47: {  	[sflag:s26] =	ssyncset.done $0x0  }
0x48: {  	s6 =	rddreg [dreg:$0x1e];
	[sflag:s26] =	ssyncadd.s32 $0xFFFFF000  }
0x49: {  	[spmem:s6] =	stream.linear.scatter [tilespmem:s25], [sflag:$0x5], $0x1000, $0x38;
	[tilespmem:$0x1A000] =	vst v63  }
0x4a: {  	_ =	swait.ge [sflag:s26], $0x1000  }
0x4b: {  	[sflag:s26] =	ssyncset.done $0x0  }
0x4c: {  	s8 =	rddreg [dreg:$0x1f];
	[sflag:s26] =	ssyncadd.s32 $0xFFFFF000  }
0x4d: {  	[spmem:s8] =	stream.linear.scatter [tilespmem:s25], [sflag:$0x5], $0x1000, $0x38;
	[tilespmem:$0x1A000] =	vst v63  }
0x4e: {  	_ =	swait.ge [sflag:s26], $0x1000  }
0x4f: {  	s9 =	sld [smem:$0x7F3]  }
0x50: {  	[sflag:s26] =	ssyncset.done $0x0  }
0x51: {  	[sflag:s26] =	ssyncadd.s32 $0xFFFFF000  }
0x52: {  	[spmem:s9] =	stream.linear.scatter [tilespmem:s25], [sflag:$0x5], $0x1000, $0x38;
	[tilespmem:$0x1A000] =	vst v63  }
0x53: {  	_ =	swait.ge [sflag:s26], $0x1000  }
0x54: {  	s10 =	sld [smem:$0x7F4]  }
0x55: {  	[sflag:s26] =	ssyncset.done $0x0  }
0x56: {  	[sflag:s26] =	ssyncadd.s32 $0xFFFFF000  }
0x57: {  	[spmem:s10] =	stream.linear.scatter [tilespmem:s25], [sflag:$0x5], $0x1000, $0x38;
	[tilespmem:$0x1A000] =	vst v63  }
0x58: {  	_ =	swait.ge [sflag:s26], $0x1000  }
0x59: {  	s11 =	sld [smem:$0x7F5]  }
0x5a: {  	[sflag:s26] =	ssyncset.done $0x0  }
0x5b: {  	[sflag:s26] =	ssyncadd.s32 $0xFFFFF000  }
0x5c: {  	[spmem:s11] =	stream.linear.scatter [tilespmem:s25], [sflag:$0x5], $0x1000, $0x38;
	[tilespmem:$0x1A000] =	vst v63  }
0x5d: {  	_ =	swait.ge [sflag:s26], $0x1000  }
0x5e: {  	s14 =	sld [smem:$0x7F6]  }
0x5f: {  	[sflag:s26] =	ssyncset.done $0x0  }
0x60: {  	[sflag:s26] =	ssyncadd.s32 $0xFFFFF000  }
0x61: {  	[spmem:s14] =	stream.linear.scatter [tilespmem:s25], [sflag:$0x5], $0x1000, $0x38;
	[tilespmem:$0x1A000] =	vst v63  }
0x62: {  	_ =	swait.ge [sflag:s26], $0x1000  }
0x63: {  	s17 =	sld [smem:$0x7F7]  }
0x64: {  	[sflag:s26] =	ssyncset.done $0x0  }
0x65: {  	[sflag:s26] =	ssyncadd.s32 $0xFFFFF000  }
0x66: {  	[spmem:s17] =	stream.linear.scatter [tilespmem:s25], [sflag:$0x5], $0x1000, $0x38;
	[tilespmem:$0x1A000] =	vst v63  }
0x67: {  	_ =	swait.ge [sflag:s26], $0x1000  }
0x68: {  	s19 =	sld [smem:$0x7F8]  }
0x69: {  	[sflag:s26] =	ssyncset.done $0x0  }
0x6a: {  	[sflag:s26] =	ssyncadd.s32 $0xFFFFF000  }
0x6b: {  	[spmem:s19] =	stream.linear.scatter [tilespmem:s25], [sflag:$0x5], $0x1000, $0x38;
	[tilespmem:$0x1A000] =	vst v63  }
0x6c: {  	_ =	swait.ge [sflag:s26], $0x1000  }
0x6d: {  	s22 =	sld [smem:$0x7F9]  }
0x6e: {  	[sflag:s26] =	ssyncset.done $0x0  }
0x6f: {  	[sflag:s26] =	ssyncadd.s32 $0xFFFFF000  }
0x70: {  	[spmem:s22] =	stream.linear.scatter [tilespmem:s25], [sflag:$0x5], $0x1000, $0x38;
	[tilespmem:$0x1A000] =	vst v63  }
0x71: {  	_ =	swait.ge [sflag:s26], $0x1000  }
0x72: {  	s6 =	sld [smem:$0x7FA]  }
0x73: {  	[sflag:s26] =	ssyncset.done $0x0  }
0x74: {  	[sflag:s26] =	ssyncadd.s32 $0xFFFFF000  }
0x75: {  	[spmem:s6] =	stream.linear.scatter [tilespmem:s25], [sflag:$0x5], $0x1000, $0x38;
	[tilespmem:$0x1A000] =	vst v63  }
0x76: {  	_ =	swait.ge [sflag:s26], $0x1000  }
0x77: {  	s8 =	sld [smem:$0x7FB]  }
0x78: {  	[sflag:s26] =	ssyncset.done $0x0  }
0x79: {  	[sflag:s26] =	ssyncadd.s32 $0xFFFFF000  }
0x7a: {  	[spmem:s8] =	stream.linear.scatter [tilespmem:s25], [sflag:$0x5], $0x1000, $0x38;
	[tilespmem:$0x1A000] =	vst v63  }
0x7b: {  	_ =	swait.ge [sflag:s26], $0x1000  }
0x7c: {  	s9 =	sld [smem:$0x7FC]  }
0x7d: {  	[sflag:s26] =	ssyncset.done $0x0  }
0x7e: {  	[sflag:s26] =	ssyncadd.s32 $0xFFFFF000  }
0x7f: {  	[spmem:s9] =	stream.linear.scatter [tilespmem:s25], [sflag:$0x5], $0x1000, $0x38;
	[tilespmem:$0x1A000] =	vst v63  }
0x80: {  	_ =	swait.ge [sflag:s26], $0x1000  }
0x81: {  	s10 =	sld [smem:$0x7FD]  }
0x82: {  	[sflag:s26] =	ssyncset.done $0x0  }
0x83: {  	[sflag:s26] =	ssyncadd.s32 $0xFFFFF000  }
0x84: {  	[spmem:s10] =	stream.linear.scatter [tilespmem:s25], [sflag:$0x5], $0x1000, $0x38;
	[tilespmem:$0x1A000] =	vst v63  }
0x85: {  	_ =	swait.ge [sflag:s26], $0x1000  }
0x86: {  	[sflag:s26] =	ssyncset.done $0x0  }
0x87: {  	[sflag:s26] =	ssyncadd.s32 $0xFFFFF000  }
0x88: {  	[bflag:$0x0] =	sbarrier.arrive $0xFFFF  }
0x89: {  	s6 =	simm.s32 $0x0;
	s8 =	rddreg [dreg:$0x10]  }
0x8a: {  	[tilespmem:s6], [sflag:$0x3] =	stream.linear.gather [hbm4b:s8+s6], $0x80, $0x38;
	[tilespmem:$0x1A000] =	vst v63  }
0x8b: {  	s9 =	simm.s32 $0x200;
	s11 =	sadd.s32 $0x20, s8  }
0x8c: {  	[tilespmem:s9], [sflag:$0x3] =	stream.linear.gather [hbm4b:s11+s6], $0x80, $0x38;
	[tilespmem:$0x1A000] =	vst v63  }
0x8d: {  	s17 =	simm.s32 $0x400;
	s14 =	sadd.s32 $0x40, s8  }
0x8e: {  	[tilespmem:s17], [sflag:$0x3] =	stream.linear.gather [hbm4b:s14+s6], $0x80, $0x38;
	[tilespmem:$0x1A000] =	vst v63  }
0x8f: {  	s22 =	simm.s32 $0x600;
	s19 =	sadd.s32 $0x60, s8  }
0x90: {  	[tilespmem:s22], [sflag:$0x3] =	stream.linear.gather [hbm4b:s19+s6], $0x80, $0x38;
	[tilespmem:$0x1A000] =	vst v63  }
0x91: {  	s10 =	sadd.s32 $0x80, s8;
	s11 =	simm.s32 $0x800  }
0x92: {  	[tilespmem:s11], [sflag:$0x3] =	stream.linear.gather [hbm4b:s10+s6], $0x80, $0x38;
	[tilespmem:$0x1A000] =	vst v63  }
0x93: {  	s14 =	sadd.s32 $0xA0, s8;
	s17 =	simm.s32 $0xA00  }
0x94: {  	[tilespmem:s17], [sflag:$0x3] =	stream.linear.gather [hbm4b:s14+s6], $0x80, $0x38;
	[tilespmem:$0x1A000] =	vst v63  }
0x95: {  	s19 =	sadd.s32 $0xC0, s8;
	s22 =	simm.s32 $0xC00  }
0x96: {  	[tilespmem:s22], [sflag:$0x3] =	stream.linear.gather [hbm4b:s19+s6], $0x80, $0x38;
	[tilespmem:$0x1A000] =	vst v63  }
0x97: {  	s9 =	sadd.s32 $0xE0, s8;
	s10 =	simm.s32 $0xE00  }
0x98: {  	[tilespmem:s10], [sflag:$0x3] =	stream.linear.gather [hbm4b:s9+s6], $0x80, $0x38;
	[tilespmem:$0x1A000] =	vst v63  }
0x99: {  	s8 =	rddreg [dreg:$0x11];
	s11 =	simm.s32 $0x80  }
0x9a: {  	[tilespmem:s11], [sflag:$0x3] =	stream.linear.gather [hbm4b:s8+s6], $0x80, $0x38;
	[tilespmem:$0x1A000] =	vst v63  }
0x9b: {  	s14 =	sadd.s32 $0x20, s8;
	s17 =	simm.s32 $0x280  }
0x9c: {  	[tilespmem:s17], [sflag:$0x3] =	stream.linear.gather [hbm4b:s14+s6], $0x80, $0x38;
	[tilespmem:$0x1A000] =	vst v63  }
0x9d: {  	s19 =	sadd.s32 $0x40, s8;
	s22 =	simm.s32 $0x480  }
0x9e: {  	[tilespmem:s22], [sflag:$0x3] =	stream.linear.gather [hbm4b:s19+s6], $0x80, $0x38;
	[tilespmem:$0x1A000] =	vst v63  }
0x9f: {  	s10 =	sadd.s32 $0x60, s8;
	s11 =	simm.s32 $0x680  }
0xa0: {  	[tilespmem:s11], [sflag:$0x3] =	stream.linear.gather [hbm4b:s10+s6], $0x80, $0x38;
	[tilespmem:$0x1A000] =	vst v63  }
0xa1: {  	s14 =	sadd.s32 $0x80, s8;
	s17 =	simm.s32 $0x880  }
0xa2: {  	[tilespmem:s17], [sflag:$0x3] =	stream.linear.gather [hbm4b:s14+s6], $0x80, $0x38;
	[tilespmem:$0x1A000] =	vst v63  }
0xa3: {  	s19 =	sadd.s32 $0xA0, s8;
	s22 =	simm.s32 $0xA80  }
0xa4: {  	[tilespmem:s22], [sflag:$0x3] =	stream.linear.gather [hbm4b:s19+s6], $0x80, $0x38;
	[tilespmem:$0x1A000] =	vst v63  }
0xa5: {  	s9 =	sadd.s32 $0xC0, s8;
	s10 =	simm.s32 $0xC80  }
0xa6: {  	[tilespmem:s10], [sflag:$0x3] =	stream.linear.gather [hbm4b:s9+s6], $0x80, $0x38;
	[tilespmem:$0x1A000] =	vst v63  }
0xa7: {  	s11 =	sadd.s32 $0xE0, s8;
	s14 =	simm.s32 $0xE80  }
0xa8: {  	[tilespmem:s14], [sflag:$0x3] =	stream.linear.gather [hbm4b:s11+s6], $0x80, $0x38;
	[tilespmem:$0x1A000] =	vst v63  }
0xa9: {  	s8 =	rddreg [dreg:$0x1a];
	s17 =	simm.s32 $0x100  }
0xaa: {  	[tilespmem:s17], [sflag:$0x3] =	stream.linear.gather [hbm4b:s8+s6], $0x80, $0x38;
	[tilespmem:$0x1A000] =	vst v63  }
0xab: {  	s19 =	sadd.s32 $0x80, s8;
	s22 =	simm.s32 $0x300  }
0xac: {  	[tilespmem:s22], [sflag:$0x3] =	stream.linear.gather [hbm4b:s19+s6], $0x80, $0x38;
	[tilespmem:$0x1A000] =	vst v63  }
0xad: {  	s10 =	sadd.s32 $0x100, s8;
	s11 =	simm.s32 $0x500  }
0xae: {  	[tilespmem:s11], [sflag:$0x3] =	stream.linear.gather [hbm4b:s10+s6], $0x80, $0x38;
	[tilespmem:$0x1A000] =	vst v63  }
0xaf: {  	s14 =	sadd.s32 $0x180, s8;
	s17 =	simm.s32 $0x700  }
0xb0: {  	[tilespmem:s17], [sflag:$0x3] =	stream.linear.gather [hbm4b:s14+s6], $0x80, $0x38;
	[tilespmem:$0x1A000] =	vst v63  }
0xb1: {  	s19 =	sadd.s32 $0x200, s8;
	s22 =	simm.s32 $0x900  }
0xb2: {  	[tilespmem:s22], [sflag:$0x3] =	stream.linear.gather [hbm4b:s19+s6], $0x80, $0x38;
	[tilespmem:$0x1A000] =	vst v63  }
0xb3: {  	s10 =	sadd.s32 $0x280, s8;
	s11 =	simm.s32 $0xB00  }
0xb4: {  	[tilespmem:s11], [sflag:$0x3] =	stream.linear.gather [hbm4b:s10+s6], $0x80, $0x38;
	[tilespmem:$0x1A000] =	vst v63  }
0xb5: {  	s14 =	sadd.s32 $0x300, s8;
	s17 =	simm.s32 $0xD00  }
0xb6: {  	[tilespmem:s17], [sflag:$0x3] =	stream.linear.gather [hbm4b:s14+s6], $0x80, $0x38;
	[tilespmem:$0x1A000] =	vst v63  }
0xb7: {  	s19 =	sadd.s32 $0x380, s8;
	s22 =	simm.s32 $0xF00  }
0xb8: {  	[tilespmem:s22], [sflag:$0x3] =	stream.linear.gather [hbm4b:s19+s6], $0x80, $0x38;
	[tilespmem:$0x1A000] =	vst v63  }
0xb9: {  	s9 =	simm.s32 $0x180;
	s8 =	rddreg [dreg:$0x1b]  }
0xba: {  	[tilespmem:s9], [sflag:$0x3] =	stream.linear.gather [hbm4b:s8+s6], $0x80, $0x38;
	[tilespmem:$0x1A000] =	vst v63  }
0xbb: {  	s10 =	sadd.s32 $0x80, s8;
	s11 =	simm.s32 $0x380  }
0xbc: {  	[tilespmem:s11], [sflag:$0x3] =	stream.linear.gather [hbm4b:s10+s6], $0x80, $0x38;
	[tilespmem:$0x1A000] =	vst v63  }
0xbd: {  	s14 =	sadd.s32 $0x100, s8;
	s17 =	simm.s32 $0x580  }
0xbe: {  	[tilespmem:s17], [sflag:$0x3] =	stream.linear.gather [hbm4b:s14+s6], $0x80, $0x38;
	[tilespmem:$0x1A000] =	vst v63  }
0xbf: {  	s19 =	sadd.s32 $0x180, s8;
	s22 =	simm.s32 $0x780  }
0xc0: {  	[tilespmem:s22], [sflag:$0x3] =	stream.linear.gather [hbm4b:s19+s6], $0x80, $0x38;
	[tilespmem:$0x1A000] =	vst v63  }
0xc1: {  	s9 =	sadd.s32 $0x200, s8;
	s10 =	simm.s32 $0x980  }
0xc2: {  	[tilespmem:s10], [sflag:$0x3] =	stream.linear.gather [hbm4b:s9+s6], $0x80, $0x38;
	[tilespmem:$0x1A000] =	vst v63  }
0xc3: {  	s11 =	sadd.s32 $0x280, s8;
	s14 =	simm.s32 $0xB80  }
0xc4: {  	[tilespmem:s14], [sflag:$0x3] =	stream.linear.gather [hbm4b:s11+s6], $0x80, $0x38;
	[tilespmem:$0x1A000] =	vst v63  }
0xc5: {  	s17 =	sadd.s32 $0x300, s8;
	s19 =	simm.s32 $0xD80  }
0xc6: {  	[tilespmem:s19], [sflag:$0x3] =	stream.linear.gather [hbm4b:s17+s6], $0x80, $0x38;
	[tilespmem:$0x1A000] =	vst v63  }
0xc7: {  	s5 =	simm.s32 $0x0;
	s22 =	sadd.s32 $0x380, s8  }
0xc8: {  	[tilespmem:s12], [sflag:$0x3] =	stream.linear.gather [hbm4b:s22+s6], $0x80, $0x38;
	[tilespmem:$0x1A000] =	vst v63  }
.LBB2_4:
0xc9: {  	_ =	swait.ge [sflag:s13], $0x400  }
0xca: {  	[sflag:s13] =	ssyncset.done $0x0  }
0xcb: {  	[sflag:s13] =	ssyncadd.s32 $0xFFFFFC00  }
0xcc: {  	_ =	swait.ge [sflag:s13], $0x400  }
0xcd: {  	[sflag:s13] =	ssyncset.done $0x0  }
0xce: {  	s8 =	sshll.u32 s5, $0xB;
	[sflag:s13] =	ssyncadd.s32 $0xFFFFFC00  }
0xcf: {  	s8 =	sand.u32 $0x1800, s8;
	_ =	swait.ge [sflag:s13], $0x400  }
0xd0: {  	s9 =	sshrl.u32 s5, $0x2;
	s8 =	sor.u32 s24, s8;
	[sflag:s13] =	ssyncset.done $0x0  }
0xd1: {  	s10 =	sshll.u32 s9, $0x13;
	s14 =	sshll.u32 s8, $0x1;
	[sflag:s13] =	ssyncadd.s32 $0xFFFFFC00  }
0xd2: {  	s10 =	sor.u32 s10, s14;
	_ =	swait.ge [sflag:s13], $0x400  }
0xd3: {  	s10 =	sshrl.u32 s10, $0x3;
	[sflag:s13] =	ssyncset.done $0x0  }
0xd4: {  	s11 =	simm.s32 $0x1000;
	s14 =	sadd.s32 s0, s10;
	[sflag:s13] =	ssyncadd.s32 $0xFFFFFC00  }
0xd5: {  	[tilespmem:s11], [sflag:$0x4] =	stream.linear.gather [hbm4b:s14+s6], $0x80, $0x38;
	[tilespmem:$0x1A000] =	vst v63  }
0xd6: {  	s22 =	simm.s32 $0x1200;
	s17 =	sadd.s32 $0x20, s14  }
0xd7: {  	[tilespmem:s22], [sflag:$0x4] =	stream.linear.gather [hbm4b:s17+s6], $0x80, $0x38;
	[tilespmem:$0x1A000] =	vst v63  }
0xd8: {  	s19 =	sadd.s32 $0x40, s14;
	s22 =	simm.s32 $0x1400  }
0xd9: {  	[tilespmem:s22], [sflag:$0x4] =	stream.linear.gather [hbm4b:s19+s6], $0x80, $0x38;
	[tilespmem:$0x1A000] =	vst v63  }
0xda: {  	s19 =	sadd.s32 $0x60, s14;
	s22 =	simm.s32 $0x1600  }
0xdb: {  	[tilespmem:s22], [sflag:$0x4] =	stream.linear.gather [hbm4b:s19+s6], $0x80, $0x38;
	[tilespmem:$0x1A000] =	vst v63  }
0xdc: {  	s19 =	sadd.s32 $0x80, s14;
	s22 =	simm.s32 $0x1800  }
0xdd: {  	[tilespmem:s22], [sflag:$0x4] =	stream.linear.gather [hbm4b:s19+s6], $0x80, $0x38;
	[tilespmem:$0x1A000] =	vst v63  }
0xde: {  	s19 =	sadd.s32 $0xA0, s14;
	s22 =	simm.s32 $0x1A00  }
0xdf: {  	[tilespmem:s22], [sflag:$0x4] =	stream.linear.gather [hbm4b:s19+s6], $0x80, $0x38;
	[tilespmem:$0x1A000] =	vst v63  }
0xe0: {  	s11 =	sadd.s32 $0xC0, s14;
	s19 =	simm.s32 $0x1C00  }
0xe1: {  	[tilespmem:s19], [sflag:$0x4] =	stream.linear.gather [hbm4b:s11+s6], $0x80, $0x38;
	[tilespmem:$0x1A000] =	vst v63  }
0xe2: {  	s10 =	sor.u32 $0x10, s10;
	s14 =	sadd.s32 $0xE0, s14;
	s22 =	simm.s32 $0x1E00  }
0xe3: {  	[tilespmem:s22], [sflag:$0x4] =	stream.linear.gather [hbm4b:s14+s6], $0x80, $0x38;
	[tilespmem:$0x1A000] =	vst v63  }
0xe4: {  	s10 =	sadd.s32 s0, s10;
	s17 =	simm.s32 $0x1080  }
0xe5: {  	[tilespmem:s17], [sflag:$0x4] =	stream.linear.gather [hbm4b:s10+s6], $0x80, $0x38;
	[tilespmem:$0x1A000] =	vst v63  }
0xe6: {  	s19 =	sadd.s32 $0x20, s10;
	s22 =	simm.s32 $0x1280  }
0xe7: {  	[tilespmem:s22], [sflag:$0x4] =	stream.linear.gather [hbm4b:s19+s6], $0x80, $0x38;
	[tilespmem:$0x1A000] =	vst v63  }
0xe8: {  	s11 =	sadd.s32 $0x40, s10;
	s17 =	simm.s32 $0x1480  }
0xe9: {  	[tilespmem:s17], [sflag:$0x4] =	stream.linear.gather [hbm4b:s11+s6], $0x80, $0x38;
	[tilespmem:$0x1A000] =	vst v63  }
0xea: {  	s19 =	sadd.s32 $0x60, s10;
	s22 =	simm.s32 $0x1680  }
0xeb: {  	[tilespmem:s22], [sflag:$0x4] =	stream.linear.gather [hbm4b:s19+s6], $0x80, $0x38;
	[tilespmem:$0x1A000] =	vst v63  }
0xec: {  	s11 =	sadd.s32 $0x80, s10;
	s17 =	simm.s32 $0x1880  }
0xed: {  	[tilespmem:s17], [sflag:$0x4] =	stream.linear.gather [hbm4b:s11+s6], $0x80, $0x38;
	[tilespmem:$0x1A000] =	vst v63  }
0xee: {  	s19 =	sadd.s32 $0xA0, s10;
	s22 =	simm.s32 $0x1A80  }
0xef: {  	[tilespmem:s22], [sflag:$0x4] =	stream.linear.gather [hbm4b:s19+s6], $0x80, $0x38;
	[tilespmem:$0x1A000] =	vst v63  }
0xf0: {  	s9 =	sshll.u32 s9, $0x4;
	s17 =	sadd.s32 $0xC0, s10;
	s19 =	simm.s32 $0x1C80  }
0xf1: {  	[tilespmem:s19], [sflag:$0x4] =	stream.linear.gather [hbm4b:s17+s6], $0x80, $0x38;
	[tilespmem:$0x1A000] =	vst v63  }
0xf2: {  	s8 =	sadd.s32 s9, s8;
	s10 =	sadd.s32 $0xE0, s10;
	s22 =	simm.s32 $0x1E80  }
0xf3: {  	[tilespmem:s22], [sflag:$0x4] =	stream.linear.gather [hbm4b:s10+s6], $0x80, $0x38;
	[tilespmem:$0x1A000] =	vst v63  }
0xf4: {  	s9 =	sadd.s32 s2, s8;
	s11 =	simm.s32 $0x1100  }
0xf5: {  	[tilespmem:s11], [sflag:$0x4] =	stream.linear.gather [hbm4b:s9+s6], $0x80, $0x38;
	[tilespmem:$0x1A000] =	vst v63  }
0xf6: {  	s14 =	sadd.s32 $0x80, s9;
	s17 =	simm.s32 $0x1300  }
0xf7: {  	[tilespmem:s17], [sflag:$0x4] =	stream.linear.gather [hbm4b:s14+s6], $0x80, $0x38;
	[tilespmem:$0x1A000] =	vst v63  }
0xf8: {  	s19 =	sadd.s32 $0x100, s9;
	s22 =	simm.s32 $0x1500  }
0xf9: {  	[tilespmem:s22], [sflag:$0x4] =	stream.linear.gather [hbm4b:s19+s6], $0x80, $0x38;
	[tilespmem:$0x1A000] =	vst v63  }
0xfa: {  	s14 =	sadd.s32 $0x180, s9;
	s17 =	simm.s32 $0x1700  }
0xfb: {  	[tilespmem:s17], [sflag:$0x4] =	stream.linear.gather [hbm4b:s14+s6], $0x80, $0x38;
	[tilespmem:$0x1A000] =	vst v63  }
0xfc: {  	s19 =	sadd.s32 $0x200, s9;
	s22 =	simm.s32 $0x1900  }
0xfd: {  	[tilespmem:s22], [sflag:$0x4] =	stream.linear.gather [hbm4b:s19+s6], $0x80, $0x38;
	[tilespmem:$0x1A000] =	vst v63  }
0xfe: {  	s11 =	sadd.s32 $0x280, s9;
	s14 =	simm.s32 $0x1B00  }
0xff: {  	[tilespmem:s14], [sflag:$0x4] =	stream.linear.gather [hbm4b:s11+s6], $0x80, $0x38;
	[tilespmem:$0x1A000] =	vst v63  }
0x100: {  	s17 =	sadd.s32 $0x300, s9;
	s19 =	simm.s32 $0x1D00  }
0x101: {  	[tilespmem:s19], [sflag:$0x4] =	stream.linear.gather [hbm4b:s17+s6], $0x80, $0x38;
	[tilespmem:$0x1A000] =	vst v63  }
0x102: {  	s9 =	sadd.s32 $0x380, s9;
	s22 =	simm.s32 $0x1F00  }
0x103: {  	[tilespmem:s22], [sflag:$0x4] =	stream.linear.gather [hbm4b:s9+s6], $0x80, $0x38;
	[tilespmem:$0x1A000] =	vst v63  }
0x104: {  	s8 =	sadd.s32 s3, s8;
	s11 =	simm.s32 $0x1180  }
0x105: {  	[tilespmem:s11], [sflag:$0x4] =	stream.linear.gather [hbm4b:s8+s6], $0x80, $0x38;
	[tilespmem:$0x1A000] =	vst v63  }
0x106: {  	s14 =	sadd.s32 $0x80, s8;
	s17 =	simm.s32 $0x1380  }
0x107: {  	[tilespmem:s17], [sflag:$0x4] =	stream.linear.gather [hbm4b:s14+s6], $0x80, $0x38;
	[tilespmem:$0x1A000] =	vst v63  }
0x108: {  	s19 =	sadd.s32 $0x100, s8;
	s22 =	simm.s32 $0x1580  }
0x109: {  	[tilespmem:s22], [sflag:$0x4] =	stream.linear.gather [hbm4b:s19+s6], $0x80, $0x38;
	[tilespmem:$0x1A000] =	vst v63  }
0x10a: {  	s10 =	sadd.s32 $0x180, s8  }
0x10b: {  	[tilespmem:s20], [sflag:$0x4] =	stream.linear.gather [hbm4b:s10+s6], $0x80, $0x38;
	[tilespmem:$0x1A000] =	vst v63  }
0x10c: {  	s11 =	sadd.s32 $0x200, s8  }
0x10d: {  	[tilespmem:s29], [sflag:$0x4] =	stream.linear.gather [hbm4b:s11+s6], $0x80, $0x38;
	[tilespmem:$0x1A000] =	vst v63  }
0x10e: {  	s14 =	sadd.s32 $0x280, s8  }
0x10f: {  	[tilespmem:s23], [sflag:$0x4] =	stream.linear.gather [hbm4b:s14+s6], $0x80, $0x38;
	[tilespmem:$0x1A000] =	vst v63  }
0x110: {  	s17 =	sadd.s32 $0x300, s8  }
0x111: {  	[tilespmem:s30], [sflag:$0x4] =	stream.linear.gather [hbm4b:s17+s6], $0x80, $0x38;
	[tilespmem:$0x1A000] =	vst v63  }
0x112: {  	s8 =	sadd.s32 $0x380, s8;
	s19 =	sand.u32 $0x70, s6;
	s22 =	sand.u32 $0xE00, s6  }
0x113: {  	[tilespmem:s15], [sflag:$0x4] =	stream.linear.gather [hbm4b:s8+s6], $0x80, $0x38;
	[tilespmem:$0x1A000] =	vst v63  }
0x114: {  	s8 =	sor.u32 s19, s22  }
0x115: {  	v1 =	vld [tilespmem:s8+$0x100]  }
0x116: {  	v2 =	vld [tilespmem:s8+$0x80]  }
0x117: {  	v3 =	vld [tilespmem:s8+$0x0];
	_ =	sdelay $0x3  }
0x118: {  	v1 =	vmul.f32 $6.300000100e-02, v1  }
0x119: {  	v2 =	vmul.f32 $4.000000000e+01, v2;
	v3 =	vmul.f32 $4.000000000e+01, v3  }
0x11a: {  	v4 =	vld [tilespmem:s8+$0x180];
	v1 =	vadd.f32 $3.150000000e+01, v1  }
0x11b: {  	v2 =	vadd.f32 $2.555000000e+02, v2;
	v3 =	vadd.f32 $2.555000000e+02, v3;
	_ =	sdelay $0x1  }
0x11c: {  	v5 =	vtrunc.f32 v1;
	vm0 =	vge.f32 v2, $0.0e+00;
	vm1 =	vge.f32 v3, $0.0e+00  }
0x11d: {  	vm2 =	vlt.f32 v3, $5.110000000e+02;
	v5 =	vcvt.f32.s32 v5;
	vm0 =	vmand vm1, vm0  }
0x11e: {  	v4 =	vmul.f32 $6.250000000e-02, v4;
	vm10 =	vlt.f32 v2, $5.110000000e+02;
	vm0 =	vmand vm0, vm2  }
0x11f: {  	vm11 =	vge.f32 v1, $0.0e+00;
	v7 =	vcvt.s32.f32 v5;
	vm0 =	vmand vm10, vm0  }
0x120: {  	v6 =	vtrunc.f32 v2;
	vm12 =	vlt.f32 v1, $6.300000000e+01;
	vm0 =	vmand vm11, vm0  }
0x121: {  	v6 =	vcvt.f32.s32 v6;
	v1 =	vsub.f32 v1, v7;
	vm0 =	vmand vm12, vm0  }
0x122: {  	v4 =	vnsel vm0, $0x0, v4  }
0x123: {  	v59 =	vcvt.s32.f32 v6;
	v1 =	vmul.f32 v4, v1  }
0x124: {  	v8 =	vtrunc.f32 v3  }
0x125: {  	v60 =	vcvt.f32.s32 v8;
	v2 =	vsub.f32 v2, v59;
	v4 =	vsub.f32 v4, v1  }
0x126: {  	vm13 =	vgt.s32 v6, $0x0;
	vm14 =	vgt.s32 v5, $0x0  }
0x127: {  	v8 =	vcvt.s32.f32 v60;
	v6 =	vnsel vm13, $0x0, v6;
	v9 =	vmul.f32 v4, v2  }
0x128: {  	vm15 =	vgt.s32 v60, $0x0;
	v5 =	vnsel vm14, $0x0, v5;
	v6 =	vmin.u32 v6, $0x1FE  }
0x129: {  	v3 =	vsub.f32 v3, v8;
	v7 =	vnsel vm15, $0x0, v60;
	v4 =	vsub.f32 v4, v9  }
0x12a: {  	v5 =	vmin.u32 v5, $0x3E;
	v6 =	vshll.u32 v6, $0x5;
	v7 =	vmin.u32 v7, $0x1FE  }
0x12b: {  	v5 =	vshll.u32 v5, $0xE;
	v61 =	vand.u32 $0x3F80, v6;
	v9 =	vmul.f32 v4, v3  }
0x12c: {  	v10 =	vshrl.u32 v7, $0x2;
	v11 =	vor.u32 v61, v5  }
0x12d: {  	s14 =	simm.s32 $0x2040;
	v7 =	vadd.s32 $0x1, v7;
	v12 =	vor.u32 v10, v11;
	v4 =	vsub.f32 v4, v9  }
0x12e: {  	s8 =	simm.s32 $0x4040;
	v6 =	vadd.s32 $0x20, v6;
	v7 =	vshrl.u32 v7, $0x2;
	[tilespmem:s14+$0xFFFFFFC0] =	vst v12  }
0x12f: {  	v6 =	vand.u32 $0x7F80, v6;
	v11 =	vadd.s32 v7, v11;
	[tilespmem:s8+$0xFFFFFFC0] =	vst v4  }
0x130: {  	v62 =	vadd.s32 v5, v6;
	[tilespmem:s14+$0xFFFFFFD0] =	vst v11  }
0x131: {  	v2 =	vmul.f32 v1, v2;
	v1 =	vor.u32 v10, v62;
	[tilespmem:s8+$0xFFFFFFD0] =	vst v9  }
0x132: {  	[tilespmem:s14+$0xFFFFFFE0] =	vst v1  }
0x133: {  	v5 =	vadd.s32 $0x4000, v5;
	v63 =	vadd.s32 v7, v62;
	v1 =	vmul.f32 v2, v3;
	[tilespmem:s8+$0xFFFFFFE0] =	vst v4  }
0x134: {  	v4 =	vor.u32 v61, v5;
	[tilespmem:s14+$0xFFFFFFF0] =	vst v63  }
0x135: {  	v8 =	vor.u32 v10, v4;
	v3 =	vsub.f32 v2, v1;
	[tilespmem:s8+$0xFFFFFFF0] =	vst v9  }
0x136: {  	[tilespmem:s14+$0x0] =	vst v8  }
0x137: {  	v2 =	vadd.s32 v7, v4;
	[tilespmem:s8+$0x0] =	vst v3  }
0x138: {  	v4 =	vadd.s32 v6, v5;
	[tilespmem:s14+$0x10] =	vst v2  }
0x139: {  	s9 =	simm.s32 $0x0;
	v5 =	vor.u32 v10, v4;
	[tilespmem:s8+$0x10] =	vst v1  }
0x13a: {  	s10 =	simm.s32 $0x2040;
	s17 =	simm.s32 $0x10;
	s22 =	simm.s32 $0x4040;
	v2 =	vadd.s32 v7, v4;
	[tilespmem:s14+$0x20] =	vst v5  }
.LBB2_5:
0x13b: {  	[tilespmem:s8+$0x20] =	vst v3;
	s9 =	sadd.s32 $0x40, s9;
	s22 =	sadd.s32 $0x80, s22;
	s14 =	sadd.s32 $0x80, s14  }
0x13c: {  	s19 =	sand.u32 $0x70, s17;
	p0 =	sne.s32 s17, $0x3F0;
	s11 =	sand.u32 $0xE00, s9;
	[tilespmem:s10+$0x30] =	vst v2  }
0x13d: {  	s17 =	sadd.s32 $0x10, s17;
	s11 =	sor.u32 s19, s11;
	[tilespmem:s8+$0x30] =	vst v1;
	s8 =	smov.u32 s22  }
0x13e: {  	s10 =	smov.u32 s14;
	v1 =	vld [tilespmem:s11+$0x100]  }
0x13f: {  	v2 =	vld [tilespmem:s11+$0x80]  }
0x140: {  	v3 =	vld [tilespmem:s11+$0x0];
	_ =	sdelay $0x1  }
0x141: {  	v4 =	vld [tilespmem:s11+$0x180]  }
0x142: {  	v1 =	vmul.f32 $6.300000100e-02, v1  }
0x143: {  	v2 =	vmul.f32 $4.000000000e+01, v2  }
0x144: {  	v3 =	vmul.f32 $4.000000000e+01, v3;
	v1 =	vadd.f32 $3.150000000e+01, v1  }
0x145: {  	v2 =	vadd.f32 $2.555000000e+02, v2  }
0x146: {  	v3 =	vadd.f32 $2.555000000e+02, v3;
	v5 =	vtrunc.f32 v1;
	v4 =	vmul.f32 $6.250000000e-02, v4  }
0x147: {  	v6 =	vtrunc.f32 v2;
	v5 =	vcvt.f32.s32 v5;
	vm0 =	vge.f32 v2, $0.0e+00  }
0x148: {  	v6 =	vcvt.f32.s32 v6;
	vm1 =	vge.f32 v3, $0.0e+00;
	vm2 =	vlt.f32 v3, $5.110000000e+02  }
0x149: {  	v7 =	vcvt.s32.f32 v5;
	vm0 =	vmand vm1, vm0;
	vm1 =	vlt.f32 v2, $5.110000000e+02  }
0x14a: {  	v8 =	vcvt.s32.f32 v6;
	vm0 =	vmand vm0, vm2;
	vm2 =	vge.f32 v1, $0.0e+00  }
0x14b: {  	v7 =	vsub.f32 v1, v7;
	vm0 =	vmand vm1, vm0;
	vm1 =	vlt.f32 v1, $6.300000000e+01  }
0x14c: {  	v1 =	vtrunc.f32 v3;
	v2 =	vsub.f32 v2, v8;
	vm0 =	vmand vm2, vm0  }
0x14d: {  	v1 =	vcvt.f32.s32 v1;
	vm0 =	vmand vm1, vm0;
	vm1 =	vgt.s32 v6, $0x0  }
0x14e: {  	v4 =	vnsel vm0, $0x0, v4;
	v6 =	vnsel vm1, $0x0, v6;
	vm0 =	vgt.s32 v5, $0x0  }
0x14f: {  	v8 =	vcvt.s32.f32 v1;
	v6 =	vmin.u32 v6, $0x1FE;
	v7 =	vmul.f32 v4, v7  }
0x150: {  	vm1 =	vgt.s32 v1, $0x0;
	v5 =	vnsel vm0, $0x0, v5;
	v6 =	vshll.u32 v6, $0x5  }
0x151: {  	v1 =	vnsel vm1, $0x0, v1;
	v3 =	vsub.f32 v3, v8;
	v4 =	vsub.f32 v4, v7  }
0x152: {  	v1 =	vmin.u32 v1, $0x1FE;
	v5 =	vmin.u32 v5, $0x3E;
	v8 =	vadd.s32 $0x20, v6  }
0x153: {  	v9 =	vadd.s32 $0x1, v1;
	v8 =	vand.u32 $0x7F80, v8;
	v10 =	vmul.f32 v4, v2  }
0x154: {  	v7 =	vmul.f32 v7, v2  }
0x155: {  	v2 =	vsub.f32 v4, v10  }
0x156: {  	v1 =	vshrl.u32 v1, $0x2;
	v4 =	vshll.u32 v5, $0xE;
	v5 =	vand.u32 $0x3F80, v6  }
0x157: {  	v6 =	vadd.s32 $0x4000, v4;
	v10 =	vor.u32 v5, v4;
	v11 =	vmul.f32 v2, v3  }
0x158: {  	v5 =	vor.u32 v5, v6;
	v6 =	vadd.s32 v8, v6;
	v12 =	vor.u32 v1, v10  }
0x159: {  	v14 =	vor.u32 v1, v5;
	v15 =	vor.u32 v1, v6;
	v13 =	vsub.f32 v2, v11  }
0x15a: {  	v9 =	vshrl.u32 v9, $0x2;
	[tilespmem:s14+$0xFFFFFFC0] =	vst v12  }
0x15b: {  	v10 =	vadd.s32 v9, v10;
	v5 =	vadd.s32 v9, v5;
	v2 =	vadd.s32 v9, v6;
	[tilespmem:s22+$0xFFFFFFC0] =	vst v13  }
0x15c: {  	v4 =	vadd.s32 v4, v8;
	[tilespmem:s14+$0xFFFFFFD0] =	vst v10  }
0x15d: {  	v1 =	vor.u32 v1, v4;
	v4 =	vadd.s32 v9, v4;
	[tilespmem:s22+$0xFFFFFFD0] =	vst v11  }
0x15e: {  	[tilespmem:s14+$0xFFFFFFE0] =	vst v1  }
0x15f: {  	v1 =	vmul.f32 v7, v3;
	[tilespmem:s22+$0xFFFFFFE0] =	vst v13  }
0x160: {  	[tilespmem:s14+$0xFFFFFFF0] =	vst v4  }
0x161: {  	v3 =	vsub.f32 v7, v1;
	[tilespmem:s22+$0xFFFFFFF0] =	vst v11  }
.Ltmp1:
0x162: {  	[tilespmem:s14+$0x0] =	vst v14;
	(pc) =	sbr.rel @p0 .LBB2_5-.Ltmp1, $4  }
0x163: {  	[tilespmem:s22+$0x0] =	vst v3  }
0x164: {  	[tilespmem:s14+$0x10] =	vst v5  }
0x165: {  	[tilespmem:s22+$0x10] =	vst v1  }
0x166: {  	[tilespmem:s14+$0x20] =	vst v15  }
0x167: {  	[tilespmem:s8+$0x20] =	vst v3  }
0x168: {  	p0 =	seq.s32 s5, $0x0;
	[tilespmem:s10+$0x30] =	vst v2  }
0x169: {  	[tilespmem:s8+$0x30] =	vst v1;
	s8 =	simm.s32 @!p0 $0x2  }
0x16a: {  	_ =	swait.ge @!p0 [sflag:s8], $0x2000  }
0x16b: {  	[sflag:s8] =	ssyncset.done @!p0 $0x0  }
0x16c: {  	[sflag:s8] =	ssyncadd.s32 @!p0 $0xFFFFE000  }
0x16d: {  	[spmem:s4] =	stream.indirect.scatter.add.f32 [tilespmem:s25], [sflag:$0x1], $0x1, s28, s28, $0xb8;
	[tilespmem:$0x1A000] =	vst v63  }
0x16e: {  	_ =	swait.ge [sflag:s16], $0x400  }
0x16f: {  	[sflag:s16] =	ssyncset.done $0x0  }
0x170: {  	s14 =	sshll.u32 s5, $0x1;
	[sflag:s16] =	ssyncadd.s32 $0xFFFFFC00  }
0x171: {  	s8 =	smin.u32 s14, $0x3D;
	_ =	swait.ge [sflag:s16], $0x400  }
0x172: {  	s8 =	sadd.s32 $0x2, s8;
	[sflag:s16] =	ssyncset.done $0x0  }
0x173: {  	s9 =	sshll.u32 s8, $0xA;
	[sflag:s16] =	ssyncadd.s32 $0xFFFFFC00  }
0x174: {  	s9 =	sand.u32 $0x1C00, s9;
	_ =	swait.ge [sflag:s16], $0x400  }
0x175: {  	s17 =	sshll.u32 s8, $0x10;
	s9 =	sor.u32 s7, s9;
	[sflag:s16] =	ssyncset.done $0x0  }
0x176: {  	s10 =	sand.u32 $0x780000, s17;
	s11 =	sshll.u32 s9, $0x1;
	[sflag:s16] =	ssyncadd.s32 $0xFFFFFC00  }
0x177: {  	s10 =	sor.u32 s10, s11;
	_ =	swait.ge [sflag:s16], $0x400  }
0x178: {  	s10 =	sshrl.u32 s10, $0x3;
	[sflag:s16] =	ssyncset.done $0x0  }
0x179: {  	s14 =	simm.s32 $0x0;
	s11 =	sadd.s32 s0, s10;
	[sflag:s16] =	ssyncadd.s32 $0xFFFFFC00  }
0x17a: {  	[tilespmem:s14], [sflag:$0x3] =	stream.linear.gather [hbm4b:s11+s14], $0x80, $0x38;
	[tilespmem:$0x1A000] =	vst v63  }
0x17b: {  	s19 =	simm.s32 $0x200;
	s17 =	sadd.s32 $0x20, s11  }
0x17c: {  	[tilespmem:s19], [sflag:$0x3] =	stream.linear.gather [hbm4b:s17+s14], $0x80, $0x38;
	[tilespmem:$0x1A000] =	vst v63  }
0x17d: {  	s22 =	simm.s32 $0x400;
	s19 =	sadd.s32 $0x40, s11  }
0x17e: {  	[tilespmem:s22], [sflag:$0x3] =	stream.linear.gather [hbm4b:s19+s14], $0x80, $0x38;
	[tilespmem:$0x1A000] =	vst v63  }
0x17f: {  	s19 =	sadd.s32 $0x60, s11;
	s22 =	simm.s32 $0x600  }
0x180: {  	[tilespmem:s22], [sflag:$0x3] =	stream.linear.gather [hbm4b:s19+s14], $0x80, $0x38;
	[tilespmem:$0x1A000] =	vst v63  }
0x181: {  	s19 =	sadd.s32 $0x80, s11;
	s22 =	simm.s32 $0x800  }
0x182: {  	[tilespmem:s22], [sflag:$0x3] =	stream.linear.gather [hbm4b:s19+s14], $0x80, $0x38;
	[tilespmem:$0x1A000] =	vst v63  }
0x183: {  	s19 =	sadd.s32 $0xA0, s11;
	s22 =	simm.s32 $0xA00  }
0x184: {  	[tilespmem:s22], [sflag:$0x3] =	stream.linear.gather [hbm4b:s19+s14], $0x80, $0x38;
	[tilespmem:$0x1A000] =	vst v63  }
0x185: {  	s19 =	sadd.s32 $0xC0, s11;
	s22 =	simm.s32 $0xC00  }
0x186: {  	[tilespmem:s22], [sflag:$0x3] =	stream.linear.gather [hbm4b:s19+s14], $0x80, $0x38;
	[tilespmem:$0x1A000] =	vst v63  }
0x187: {  	s11 =	sadd.s32 $0xE0, s11;
	s22 =	simm.s32 $0xE00  }
0x188: {  	[tilespmem:s22], [sflag:$0x3] =	stream.linear.gather [hbm4b:s11+s14], $0x80, $0x38;
	[tilespmem:$0x1A000] =	vst v63  }
0x189: {  	s10 =	sadd.s32 s10, s18;
	s17 =	simm.s32 $0x80  }
0x18a: {  	[tilespmem:s17], [sflag:$0x3] =	stream.linear.gather [hbm4b:s10+s14], $0x80, $0x38;
	[tilespmem:$0x1A000] =	vst v63  }
0x18b: {  	s19 =	sadd.s32 $0x20, s10;
	s22 =	simm.s32 $0x280  }
0x18c: {  	[tilespmem:s22], [sflag:$0x3] =	stream.linear.gather [hbm4b:s19+s14], $0x80, $0x38;
	[tilespmem:$0x1A000] =	vst v63  }
0x18d: {  	s19 =	sadd.s32 $0x40, s10;
	s22 =	simm.s32 $0x480  }
0x18e: {  	[tilespmem:s22], [sflag:$0x3] =	stream.linear.gather [hbm4b:s19+s14], $0x80, $0x38;
	[tilespmem:$0x1A000] =	vst v63  }
0x18f: {  	s19 =	sadd.s32 $0x60, s10;
	s22 =	simm.s32 $0x680  }
0x190: {  	[tilespmem:s22], [sflag:$0x3] =	stream.linear.gather [hbm4b:s19+s14], $0x80, $0x38;
	[tilespmem:$0x1A000] =	vst v63  }
0x191: {  	s19 =	sadd.s32 $0x80, s10;
	s22 =	simm.s32 $0x880  }
0x192: {  	[tilespmem:s22], [sflag:$0x3] =	stream.linear.gather [hbm4b:s19+s14], $0x80, $0x38;
	[tilespmem:$0x1A000] =	vst v63  }
0x193: {  	s19 =	sadd.s32 $0xA0, s10;
	s22 =	simm.s32 $0xA80  }
0x194: {  	[tilespmem:s22], [sflag:$0x3] =	stream.linear.gather [hbm4b:s19+s14], $0x80, $0x38;
	[tilespmem:$0x1A000] =	vst v63  }
0x195: {  	s19 =	sadd.s32 $0xC0, s10;
	s22 =	simm.s32 $0xC80  }
0x196: {  	[tilespmem:s22], [sflag:$0x3] =	stream.linear.gather [hbm4b:s19+s14], $0x80, $0x38;
	[tilespmem:$0x1A000] =	vst v63  }
0x197: {  	s19 =	sshll.u32 s8, $0xC;
	s8 =	sshll.u32 s8, $0x1  }
0x198: {  	s17 =	simm.s32 $0xE80;
	s10 =	sadd.s32 $0xE0, s10;
	s8 =	sor.u32 s8, s19  }
0x199: {  	[tilespmem:s17], [sflag:$0x3] =	stream.linear.gather [hbm4b:s10+s14], $0x80, $0x38;
	[tilespmem:$0x1A000] =	vst v63  }
0x19a: {  	s8 =	sand.u32 $0x40070, s8  }
0x19b: {  	s8 =	sor.u32 s9, s8  }
0x19c: {  	s22 =	simm.s32 $0x100;
	s9 =	sadd.s32 s2, s8  }
0x19d: {  	[tilespmem:s22], [sflag:$0x3] =	stream.linear.gather [hbm4b:s9+s14], $0x80, $0x38;
	[tilespmem:$0x1A000] =	vst v63  }
0x19e: {  	s17 =	simm.s32 $0x300;
	s11 =	sadd.s32 $0x80, s9  }
0x19f: {  	[tilespmem:s17], [sflag:$0x3] =	stream.linear.gather [hbm4b:s11+s14], $0x80, $0x38;
	[tilespmem:$0x1A000] =	vst v63  }
0x1a0: {  	s19 =	sadd.s32 $0x100, s9;
	s22 =	simm.s32 $0x500  }
0x1a1: {  	[tilespmem:s22], [sflag:$0x3] =	stream.linear.gather [hbm4b:s19+s14], $0x80, $0x38;
	[tilespmem:$0x1A000] =	vst v63  }
0x1a2: {  	s11 =	sadd.s32 $0x180, s9;
	s17 =	simm.s32 $0x700  }
0x1a3: {  	[tilespmem:s17], [sflag:$0x3] =	stream.linear.gather [hbm4b:s11+s14], $0x80, $0x38;
	[tilespmem:$0x1A000] =	vst v63  }
0x1a4: {  	s19 =	sadd.s32 $0x200, s9;
	s22 =	simm.s32 $0x900  }
0x1a5: {  	[tilespmem:s22], [sflag:$0x3] =	stream.linear.gather [hbm4b:s19+s14], $0x80, $0x38;
	[tilespmem:$0x1A000] =	vst v63  }
0x1a6: {  	s11 =	sadd.s32 $0x280, s9;
	s17 =	simm.s32 $0xB00  }
0x1a7: {  	[tilespmem:s17], [sflag:$0x3] =	stream.linear.gather [hbm4b:s11+s14], $0x80, $0x38;
	[tilespmem:$0x1A000] =	vst v63  }
0x1a8: {  	s19 =	sadd.s32 $0x300, s9;
	s22 =	simm.s32 $0xD00  }
0x1a9: {  	[tilespmem:s22], [sflag:$0x3] =	stream.linear.gather [hbm4b:s19+s14], $0x80, $0x38;
	[tilespmem:$0x1A000] =	vst v63  }
0x1aa: {  	s9 =	sadd.s32 $0x380, s9;
	s11 =	simm.s32 $0xF00  }
0x1ab: {  	[tilespmem:s11], [sflag:$0x3] =	stream.linear.gather [hbm4b:s9+s14], $0x80, $0x38;
	[tilespmem:$0x1A000] =	vst v63  }
0x1ac: {  	s8 =	sadd.s32 s3, s8;
	s17 =	simm.s32 $0x180  }
0x1ad: {  	[tilespmem:s17], [sflag:$0x3] =	stream.linear.gather [hbm4b:s8+s14], $0x80, $0x38;
	[tilespmem:$0x1A000] =	vst v63  }
0x1ae: {  	s19 =	sadd.s32 $0x80, s8;
	s22 =	simm.s32 $0x380  }
0x1af: {  	[tilespmem:s22], [sflag:$0x3] =	stream.linear.gather [hbm4b:s19+s14], $0x80, $0x38;
	[tilespmem:$0x1A000] =	vst v63  }
0x1b0: {  	s11 =	sadd.s32 $0x100, s8;
	s17 =	simm.s32 $0x580  }
0x1b1: {  	[tilespmem:s17], [sflag:$0x3] =	stream.linear.gather [hbm4b:s11+s14], $0x80, $0x38;
	[tilespmem:$0x1A000] =	vst v63  }
0x1b2: {  	s19 =	sadd.s32 $0x180, s8;
	s22 =	simm.s32 $0x780  }
0x1b3: {  	[tilespmem:s22], [sflag:$0x3] =	stream.linear.gather [hbm4b:s19+s14], $0x80, $0x38;
	[tilespmem:$0x1A000] =	vst v63  }
0x1b4: {  	s11 =	sadd.s32 $0x200, s8;
	s17 =	simm.s32 $0x980  }
0x1b5: {  	[tilespmem:s17], [sflag:$0x3] =	stream.linear.gather [hbm4b:s11+s14], $0x80, $0x38;
	[tilespmem:$0x1A000] =	vst v63  }
0x1b6: {  	s19 =	sadd.s32 $0x280, s8;
	s22 =	simm.s32 $0xB80  }
0x1b7: {  	[tilespmem:s22], [sflag:$0x3] =	stream.linear.gather [hbm4b:s19+s14], $0x80, $0x38;
	[tilespmem:$0x1A000] =	vst v63  }
0x1b8: {  	s11 =	sadd.s32 $0x300, s8;
	s17 =	simm.s32 $0xD80  }
0x1b9: {  	[tilespmem:s17], [sflag:$0x3] =	stream.linear.gather [hbm4b:s11+s14], $0x80, $0x38;
	[tilespmem:$0x1A000] =	vst v63  }
0x1ba: {  	s8 =	sadd.s32 $0x380, s8;
	s19 =	sand.u32 $0x70, s14;
	s22 =	sand.u32 $0xE00, s14  }
0x1bb: {  	[tilespmem:s12], [sflag:$0x3] =	stream.linear.gather [hbm4b:s8+s14], $0x80, $0x38;
	[tilespmem:$0x1A000] =	vst v63  }
0x1bc: {  	s8 =	sor.u32 s19, s22  }
0x1bd: {  	v1 =	vld [tilespmem:s8+$0x1100]  }
0x1be: {  	v2 =	vld [tilespmem:s8+$0x1080]  }
0x1bf: {  	v3 =	vld [tilespmem:s8+$0x1000];
	_ =	sdelay $0x3  }
0x1c0: {  	v1 =	vmul.f32 $6.300000100e-02, v1  }
0x1c1: {  	v2 =	vmul.f32 $4.000000000e+01, v2;
	v3 =	vmul.f32 $4.000000000e+01, v3  }
0x1c2: {  	v4 =	vld [tilespmem:s8+$0x1180];
	v1 =	vadd.f32 $3.150000000e+01, v1  }
0x1c3: {  	v2 =	vadd.f32 $2.555000000e+02, v2;
	v3 =	vadd.f32 $2.555000000e+02, v3;
	_ =	sdelay $0x1  }
0x1c4: {  	v5 =	vtrunc.f32 v1;
	vm0 =	vge.f32 v2, $0.0e+00;
	vm1 =	vge.f32 v3, $0.0e+00  }
0x1c5: {  	vm2 =	vlt.f32 v3, $5.110000000e+02;
	v5 =	vcvt.f32.s32 v5;
	vm0 =	vmand vm1, vm0  }
0x1c6: {  	v4 =	vmul.f32 $6.250000000e-02, v4;
	vm10 =	vlt.f32 v2, $5.110000000e+02;
	vm0 =	vmand vm0, vm2  }
0x1c7: {  	vm11 =	vge.f32 v1, $0.0e+00;
	v7 =	vcvt.s32.f32 v5;
	vm0 =	vmand vm10, vm0  }
0x1c8: {  	v6 =	vtrunc.f32 v2;
	vm12 =	vlt.f32 v1, $6.300000000e+01;
	vm0 =	vmand vm11, vm0  }
0x1c9: {  	v6 =	vcvt.f32.s32 v6;
	v1 =	vsub.f32 v1, v7;
	vm0 =	vmand vm12, vm0  }
0x1ca: {  	v4 =	vnsel vm0, $0x0, v4  }
0x1cb: {  	v59 =	vcvt.s32.f32 v6;
	v1 =	vmul.f32 v4, v1  }
0x1cc: {  	v8 =	vtrunc.f32 v3  }
0x1cd: {  	v60 =	vcvt.f32.s32 v8;
	v2 =	vsub.f32 v2, v59;
	v4 =	vsub.f32 v4, v1  }
0x1ce: {  	vm13 =	vgt.s32 v6, $0x0;
	vm14 =	vgt.s32 v5, $0x0  }
0x1cf: {  	v8 =	vcvt.s32.f32 v60;
	v6 =	vnsel vm13, $0x0, v6;
	v9 =	vmul.f32 v4, v2  }
0x1d0: {  	vm15 =	vgt.s32 v60, $0x0;
	v5 =	vnsel vm14, $0x0, v5;
	v6 =	vmin.u32 v6, $0x1FE  }
0x1d1: {  	v3 =	vsub.f32 v3, v8;
	v7 =	vnsel vm15, $0x0, v60;
	v4 =	vsub.f32 v4, v9  }
0x1d2: {  	v5 =	vmin.u32 v5, $0x3E;
	v6 =	vshll.u32 v6, $0x5;
	v7 =	vmin.u32 v7, $0x1FE  }
0x1d3: {  	v5 =	vshll.u32 v5, $0xE;
	v61 =	vand.u32 $0x3F80, v6;
	v9 =	vmul.f32 v4, v3  }
0x1d4: {  	v10 =	vshrl.u32 v7, $0x2;
	v11 =	vor.u32 v61, v5  }
0x1d5: {  	s8 =	simm.s32 $0x6040;
	v7 =	vadd.s32 $0x1, v7;
	v12 =	vor.u32 v10, v11;
	v4 =	vsub.f32 v4, v9  }
0x1d6: {  	s17 =	simm.s32 $0x8040;
	v6 =	vadd.s32 $0x20, v6;
	v7 =	vshrl.u32 v7, $0x2;
	[tilespmem:s8+$0xFFFFFFC0] =	vst v12  }
0x1d7: {  	v6 =	vand.u32 $0x7F80, v6;
	v11 =	vadd.s32 v7, v11;
	[tilespmem:s17+$0xFFFFFFC0] =	vst v4  }
0x1d8: {  	v62 =	vadd.s32 v5, v6;
	[tilespmem:s8+$0xFFFFFFD0] =	vst v11  }
0x1d9: {  	v2 =	vmul.f32 v1, v2;
	v1 =	vor.u32 v10, v62;
	[tilespmem:s17+$0xFFFFFFD0] =	vst v9  }
0x1da: {  	[tilespmem:s8+$0xFFFFFFE0] =	vst v1  }
0x1db: {  	v5 =	vadd.s32 $0x4000, v5;
	v63 =	vadd.s32 v7, v62;
	v1 =	vmul.f32 v2, v3;
	[tilespmem:s17+$0xFFFFFFE0] =	vst v4  }
0x1dc: {  	v4 =	vor.u32 v61, v5;
	[tilespmem:s8+$0xFFFFFFF0] =	vst v63  }
0x1dd: {  	v8 =	vor.u32 v10, v4;
	v3 =	vsub.f32 v2, v1;
	[tilespmem:s17+$0xFFFFFFF0] =	vst v9  }
0x1de: {  	[tilespmem:s8+$0x0] =	vst v8  }
0x1df: {  	v2 =	vadd.s32 v7, v4;
	[tilespmem:s17+$0x0] =	vst v3  }
0x1e0: {  	v4 =	vadd.s32 v6, v5;
	[tilespmem:s8+$0x10] =	vst v2  }
0x1e1: {  	v5 =	vor.u32 v10, v4;
	[tilespmem:s17+$0x10] =	vst v1  }
0x1e2: {  	s10 =	simm.s32 $0x6040;
	s9 =	simm.s32 $0x10;
	s22 =	simm.s32 $0x8040;
	v2 =	vadd.s32 v7, v4;
	[tilespmem:s8+$0x20] =	vst v5  }
.LBB2_7:
0x1e3: {  	[tilespmem:s17+$0x20] =	vst v3;
	s14 =	sadd.s32 $0x40, s14;
	s22 =	sadd.s32 $0x80, s22;
	s8 =	sadd.s32 $0x80, s8  }
0x1e4: {  	s11 =	sand.u32 $0x70, s9;
	p0 =	sne.s32 s9, $0x3F0;
	s19 =	sand.u32 $0xE00, s14;
	[tilespmem:s10+$0x30] =	vst v2  }
0x1e5: {  	s9 =	sadd.s32 $0x10, s9;
	s11 =	sor.u32 s11, s19;
	[tilespmem:s17+$0x30] =	vst v1;
	s17 =	smov.u32 s22  }
0x1e6: {  	s10 =	smov.u32 s8;
	v1 =	vld [tilespmem:s11+$0x1100]  }
0x1e7: {  	v2 =	vld [tilespmem:s11+$0x1080]  }
0x1e8: {  	v3 =	vld [tilespmem:s11+$0x1000];
	_ =	sdelay $0x1  }
0x1e9: {  	v4 =	vld [tilespmem:s11+$0x1180]  }
0x1ea: {  	v1 =	vmul.f32 $6.300000100e-02, v1  }
0x1eb: {  	v2 =	vmul.f32 $4.000000000e+01, v2  }
0x1ec: {  	v3 =	vmul.f32 $4.000000000e+01, v3;
	v1 =	vadd.f32 $3.150000000e+01, v1  }
0x1ed: {  	v2 =	vadd.f32 $2.555000000e+02, v2  }
0x1ee: {  	v3 =	vadd.f32 $2.555000000e+02, v3;
	v5 =	vtrunc.f32 v1;
	v4 =	vmul.f32 $6.250000000e-02, v4  }
0x1ef: {  	v6 =	vtrunc.f32 v2;
	v5 =	vcvt.f32.s32 v5;
	vm0 =	vge.f32 v2, $0.0e+00  }
0x1f0: {  	v6 =	vcvt.f32.s32 v6;
	vm1 =	vge.f32 v3, $0.0e+00;
	vm2 =	vlt.f32 v3, $5.110000000e+02  }
0x1f1: {  	v7 =	vcvt.s32.f32 v5;
	vm0 =	vmand vm1, vm0;
	vm1 =	vlt.f32 v2, $5.110000000e+02  }
0x1f2: {  	v8 =	vcvt.s32.f32 v6;
	vm0 =	vmand vm0, vm2;
	vm2 =	vge.f32 v1, $0.0e+00  }
0x1f3: {  	v7 =	vsub.f32 v1, v7;
	vm0 =	vmand vm1, vm0;
	vm1 =	vlt.f32 v1, $6.300000000e+01  }
0x1f4: {  	v1 =	vtrunc.f32 v3;
	v2 =	vsub.f32 v2, v8;
	vm0 =	vmand vm2, vm0  }
0x1f5: {  	v1 =	vcvt.f32.s32 v1;
	vm0 =	vmand vm1, vm0;
	vm1 =	vgt.s32 v6, $0x0  }
0x1f6: {  	v4 =	vnsel vm0, $0x0, v4;
	v6 =	vnsel vm1, $0x0, v6;
	vm0 =	vgt.s32 v5, $0x0  }
0x1f7: {  	v8 =	vcvt.s32.f32 v1;
	v6 =	vmin.u32 v6, $0x1FE;
	v7 =	vmul.f32 v4, v7  }
0x1f8: {  	vm1 =	vgt.s32 v1, $0x0;
	v5 =	vnsel vm0, $0x0, v5;
	v6 =	vshll.u32 v6, $0x5  }
0x1f9: {  	v1 =	vnsel vm1, $0x0, v1;
	v3 =	vsub.f32 v3, v8;
	v4 =	vsub.f32 v4, v7  }
0x1fa: {  	v1 =	vmin.u32 v1, $0x1FE;
	v5 =	vmin.u32 v5, $0x3E;
	v8 =	vadd.s32 $0x20, v6  }
0x1fb: {  	v9 =	vadd.s32 $0x1, v1;
	v8 =	vand.u32 $0x7F80, v8;
	v10 =	vmul.f32 v4, v2  }
0x1fc: {  	v7 =	vmul.f32 v7, v2  }
0x1fd: {  	v2 =	vsub.f32 v4, v10  }
0x1fe: {  	v1 =	vshrl.u32 v1, $0x2;
	v4 =	vshll.u32 v5, $0xE;
	v5 =	vand.u32 $0x3F80, v6  }
0x1ff: {  	v6 =	vadd.s32 $0x4000, v4;
	v10 =	vor.u32 v5, v4;
	v11 =	vmul.f32 v2, v3  }
0x200: {  	v5 =	vor.u32 v5, v6;
	v6 =	vadd.s32 v8, v6;
	v12 =	vor.u32 v1, v10  }
0x201: {  	v14 =	vor.u32 v1, v5;
	v15 =	vor.u32 v1, v6;
	v13 =	vsub.f32 v2, v11  }
0x202: {  	v9 =	vshrl.u32 v9, $0x2;
	[tilespmem:s8+$0xFFFFFFC0] =	vst v12  }
0x203: {  	v10 =	vadd.s32 v9, v10;
	v5 =	vadd.s32 v9, v5;
	v2 =	vadd.s32 v9, v6;
	[tilespmem:s22+$0xFFFFFFC0] =	vst v13  }
0x204: {  	v4 =	vadd.s32 v4, v8;
	[tilespmem:s8+$0xFFFFFFD0] =	vst v10  }
0x205: {  	v1 =	vor.u32 v1, v4;
	v4 =	vadd.s32 v9, v4;
	[tilespmem:s22+$0xFFFFFFD0] =	vst v11  }
0x206: {  	[tilespmem:s8+$0xFFFFFFE0] =	vst v1  }
0x207: {  	v1 =	vmul.f32 v7, v3;
	[tilespmem:s22+$0xFFFFFFE0] =	vst v13  }
0x208: {  	[tilespmem:s8+$0xFFFFFFF0] =	vst v4  }
0x209: {  	v3 =	vsub.f32 v7, v1;
	[tilespmem:s22+$0xFFFFFFF0] =	vst v11  }
.Ltmp2:
0x20a: {  	[tilespmem:s8+$0x0] =	vst v14;
	(pc) =	sbr.rel @p0 .LBB2_7-.Ltmp2, $4  }
0x20b: {  	[tilespmem:s22+$0x0] =	vst v3  }
0x20c: {  	[tilespmem:s8+$0x10] =	vst v5  }
0x20d: {  	[tilespmem:s22+$0x10] =	vst v1  }
0x20e: {  	[tilespmem:s8+$0x20] =	vst v15  }
0x20f: {  	[tilespmem:s17+$0x20] =	vst v3;
	s5 =	sadd.s32 $0x1, s5  }
0x210: {  	[tilespmem:s10+$0x30] =	vst v2;
	p0 =	sne.s32 s5, $0x20  }
.Ltmp3:
0x211: {  	[tilespmem:s17+$0x30] =	vst v1;
	(pc) =	sbr.rel @p0 .LBB2_4-.Ltmp3, $4  }
0x212: {  	_ =	swait.ge [sflag:s31], $0x2000  }
0x213: {  	[sflag:s31] =	ssyncset.done $0x0  }
0x214: {  	[sflag:s31] =	ssyncadd.s32 $0xFFFFE000  }
0x215: {  	[spmem:s4] =	stream.indirect.scatter.add.f32 [tilespmem:s1], [sflag:$0x2], $0x1, s21, s28, $0xb8;
	[tilespmem:$0x1A000] =	vst v63  }
0x216: {  	s5 =	simm.s32 $0x2  }
0x217: {  	_ =	swait.ge [sflag:s5], $0x2000  }
0x218: {  	[sflag:s5] =	ssyncset.done $0x0  }
0x219: {  	[sflag:s5] =	ssyncadd.s32 $0xFFFFE000  }
0x21a: {  	_ =	swait.ge [sflag:s13], $0x400  }
0x21b: {  	[sflag:s13] =	ssyncset.done $0x0  }
0x21c: {  	[sflag:s13] =	ssyncadd.s32 $0xFFFFFC00  }
0x21d: {  	_ =	swait.ge [sflag:s13], $0x400  }
0x21e: {  	[sflag:s13] =	ssyncset.done $0x0  }
0x21f: {  	[sflag:s13] =	ssyncadd.s32 $0xFFFFFC00  }
0x220: {  	_ =	swait.ge [sflag:s13], $0x400  }
0x221: {  	[sflag:s13] =	ssyncset.done $0x0  }
0x222: {  	[sflag:s13] =	ssyncadd.s32 $0xFFFFFC00  }
0x223: {  	_ =	swait.ge [sflag:s13], $0x400  }
0x224: {  	[sflag:s13] =	ssyncset.done $0x0  }
0x225: {  	[sflag:s13] =	ssyncadd.s32 $0xFFFFFC00  }
0x226: {  	s10 =	stileid.u32;
	s9 =	simm.s32 $0x20;
	[bflag:$0x0] =	sbarrier.arrive $0xFFFF  }
0x227: {  	s5 =	sshll.u32 s10, $0x6;
	s10 =	simm.s32 $0x10;
	s17 =	rddreg [dreg:$0xf]  }
0x228: {  	s5 =	sor.u32 $0x1C05, s5;
	s8 =	rddreg [dreg:$0x7];
	s6 =	sshrl.u32 s17, $0x3  }
0x229: {  	[hbm:s8@s9], [sflag:s5] =	dma.strided [spmem:s6@s10], $0x400, s31, $0x10   }
0x22a: {  	_ =	swait.ge [sflag:s26], $0x400  }
0x22b: {  	[sflag:s26] =	ssyncset.done $0x0;
	s11 =	rddreg [dreg:$0x8]  }
0x22c: {  	s14 =	rddreg [dreg:$0x13];
	[sflag:s26] =	ssyncadd.s32 $0xFFFFFC00  }
0x22d: {  	[hbm:s11@s9], [sflag:s5] =	dma.strided [spmem:s14@s10], $0x400, s31, $0x10   }
0x22e: {  	_ =	swait.ge [sflag:s26], $0x400  }
0x22f: {  	[sflag:s26] =	ssyncset.done $0x0;
	s19 =	rddreg [dreg:$0x9]  }
0x230: {  	s22 =	rddreg [dreg:$0x14];
	[sflag:s26] =	ssyncadd.s32 $0xFFFFFC00  }
0x231: {  	[hbm:s19@s9], [sflag:s5] =	dma.strided [spmem:s22@s10], $0x400, s31, $0x10   }
0x232: {  	_ =	swait.ge [sflag:s26], $0x400  }
0x233: {  	[sflag:s26] =	ssyncset.done $0x0;
	s11 =	rddreg [dreg:$0xa]  }
0x234: {  	s14 =	rddreg [dreg:$0x15];
	[sflag:s26] =	ssyncadd.s32 $0xFFFFFC00  }
0x235: {  	[hbm:s11@s9], [sflag:s5] =	dma.strided [spmem:s14@s10], $0x400, s31, $0x10   }
0x236: {  	_ =	swait.ge [sflag:s26], $0x400  }
0x237: {  	[sflag:s26] =	ssyncset.done $0x0;
	s19 =	rddreg [dreg:$0xb]  }
0x238: {  	s22 =	rddreg [dreg:$0x16];
	[sflag:s26] =	ssyncadd.s32 $0xFFFFFC00  }
0x239: {  	[hbm:s19@s9], [sflag:s5] =	dma.strided [spmem:s22@s10], $0x400, s31, $0x10   }
0x23a: {  	_ =	swait.ge [sflag:s26], $0x400  }
0x23b: {  	[sflag:s26] =	ssyncset.done $0x0;
	s11 =	rddreg [dreg:$0xc]  }
0x23c: {  	s14 =	rddreg [dreg:$0x17];
	[sflag:s26] =	ssyncadd.s32 $0xFFFFFC00  }
0x23d: {  	[hbm:s11@s9], [sflag:s5] =	dma.strided [spmem:s14@s10], $0x400, s31, $0x10   }
0x23e: {  	_ =	swait.ge [sflag:s26], $0x400  }
0x23f: {  	[sflag:s26] =	ssyncset.done $0x0;
	s19 =	rddreg [dreg:$0xd]  }
0x240: {  	s22 =	rddreg [dreg:$0x18];
	[sflag:s26] =	ssyncadd.s32 $0xFFFFFC00  }
0x241: {  	[hbm:s19@s9], [sflag:s5] =	dma.strided [spmem:s22@s10], $0x400, s31, $0x10   }
0x242: {  	_ =	swait.ge [sflag:s26], $0x400  }
0x243: {  	[sflag:s26] =	ssyncset.done $0x0;
	s11 =	rddreg [dreg:$0xe]  }
0x244: {  	s14 =	rddreg [dreg:$0x19];
	[sflag:s26] =	ssyncadd.s32 $0xFFFFFC00  }
0x245: {  	[hbm:s11@s9], [sflag:s5] =	dma.strided [spmem:s14@s10], $0x400, s31, $0x10   }
0x246: {  	_ =	swait.ge [sflag:s26], $0x400  }
0x247: {  	s19 =	rddreg [dreg:$0x6]  }
0x248: {  	s22 =	rddreg [dreg:$0x12];
	s5 =	sadd.s32 $0x1, s19  }
0x249: {  	p0 =	sne.s32 s5, s22  }
.Ltmp4:
0x24a: {  	_ = 	snop;
	(pc) =	sbr.rel @p0 .LBB2_1-.Ltmp4, $3  }
0x24b: {  	_ =	sdelay $0x1  }
0x24c: {  	[sflag:s26] =	ssyncset.done $0x0  }
0x24d: {  	[sflag:s26] =	ssyncadd.s32 $0xFFFFFC00;
	[dreg:$0x6] =	wrdreg s5  }
0x24e: {  	_ =	sfence.sel $0x180000  }
0x24f: {  	[bflag:$0x0] =	sbarrier.arrive $0xFFFF  }
0x250: {  	_ =	strace $0x90000047  }
0x251: {  	s0 =	stileid.u32;
	[bflag:$0x2] =	sbarrier.arrive $0xFFFF  }
0x252: {  	p0 =	sne.s32 s0, $0x0;
	s0 =	rddreg [dreg:$0x5]  }
0x253: {  	s0 =	sadd.s32 @!p0 $0x100000, s0  }
0x254: {  	[sflag:s0] =	ssyncadd.tile.s32 @!p0 $0x1;
	_ =	shalt  }
.Lfunc_end2:
_tile_overlayer_lowered:
.L_overlay_start_2:
0x255: {  	(tag) =	ssettag $0x2  }
0x256: {  	s0 =	rddreg [dreg:$0x0];
	s2 =	stileid.u32  }
0x257: {  	s1 =	rddreg [dreg:$0x1];
	p0 =	sne.s32 s2, $0x0  }
0x258: {  	s3 =	rddreg [dreg:$0x2];
	[bflag:$0x3] =	sbarrier.arrive $0xFFFF;
	s2 =	simm.s32 @!p0 $0x1C05  }
0x259: {  	[timem:s3], [sflag:s2] =	dma.local @!p0 [hbm:s0], s1  }
0x25a: {  	s0 =	simm.s32 @!p0 $0x5  }
0x25b: {  	_ =	swait.ge @!p0 [sflag:s0], s1  }
0x25c: {  	s1 =	ssub.s32 @!p0 $0x0, s1;
	[sflag:s0] =	ssyncset.done @!p0 $0x0  }
0x25d: {  	[sflag:s0] =	ssyncadd.s32 @!p0 s1  }
0x25e: {  	[bflag:$0x3] =	sbarrier.arrive $0xFFFF  }
0x25f: {  	_ =	shalt  }

</sc_bundles>
